<compile_context>
chip_gen: v7x
topology: tpu7x:2x2x1
jax: 0.10.2.dev20260603
libtpu: 0.0.44.dev20260713+nightly
codegen_flags: <defaults>
</compile_context>

<pallas_src>
import functools

import jax
import jax.numpy as jnp
import numpy as np
from jax import lax
from jax.experimental import pallas as pl
from jax.experimental.pallas import tpu as pltpu
from jax.experimental.pallas import tpu_sc as plsc

N = 384
K = 60
SK = 20
C_S = 384
C_Z = 128
H = 4
NUM_RBF = 64
DH = C_Z // H
E = N * K

BN = 8
BNK = BN * K
BSK = BN * SK

_D_MAX = 20.0
_MU_STEP = _D_MAX / (NUM_RBF - 1)
_INV_SIGMA = NUM_RBF / _D_MAX
_SCALE = 1.0 / float(np.sqrt(C_Z))


def _rotl32(x, d):
    return ((x << np.uint32(d)) | (x >> np.uint32(32 - d))).astype(np.uint32)


def _threefry2x32(k0, k1, x0, x1):
    x0 = x0.astype(np.uint32).copy()
    x1 = x1.astype(np.uint32).copy()
    k0 = np.uint32(k0)
    k1 = np.uint32(k1)
    k2 = np.uint32(k0 ^ k1 ^ np.uint32(0x1BD11BDA))
    rot = [(13, 15, 26, 6), (17, 29, 16, 24)]
    ks = [k0, k1, k2]
    x0 = (x0 + k0).astype(np.uint32)
    x1 = (x1 + k1).astype(np.uint32)
    for r in range(5):
        for d in rot[r % 2]:
            x0 = (x0 + x1).astype(np.uint32)
            x1 = _rotl32(x1, d)
            x1 = (x1 ^ x0).astype(np.uint32)
        x0 = (x0 + ks[(r + 1) % 3]).astype(np.uint32)
        x1 = (x1 + ks[(r + 2) % 3] + np.uint32(r + 1)).astype(np.uint32)
    return x0, x1


@functools.lru_cache(maxsize=1)
def _perm_flat_const():
    n = N * K * K
    b0, b1 = _threefry2x32(0, 42, np.zeros(n, np.uint32),
                           np.arange(n, dtype=np.uint32))
    bits = (b0 ^ b1).astype(np.uint32)
    fl = ((bits >> np.uint32(9)) | np.uint32(0x3F800000)).view(np.float32) \
        - np.float32(1.0)
    u = fl.reshape(N, K, K)
    idx_np = np.argsort(u, axis=-1, kind="stable")[..., :SK].astype(np.int32)
    flat = np.arange(N, dtype=np.int32)[:, None, None] * K + idx_np
    return flat.reshape(-1)


_TD = 16
_TDB = 8
_NW = 32


def _sc_gather(table, idx, rows, width, chunk):
    b_per_w = rows // _NW
    n_chunks = b_per_w // chunk
    mesh = plsc.VectorSubcoreMesh(core_axis_name="c", subcore_axis_name="s")

    @functools.partial(
        pl.kernel, mesh=mesh,
        out_type=jax.ShapeDtypeStruct((rows, width), jnp.float32),
        compiler_params=pltpu.CompilerParams(use_tc_tiling_on_sc=False),
        scratch_types=[
            pltpu.VMEM((chunk,), jnp.int32),
            pltpu.VMEM((chunk, width), jnp.float32),
            pltpu.SemaphoreType.DMA,
        ],
    )
    def k(table_hbm, idx_hbm, out_hbm, idx_v, rows_v, sem):
        wid = lax.axis_index("s") * 2 + lax.axis_index("c")
        base = wid * b_per_w

        def body(c, _):
            off = base + c * chunk
            pltpu.sync_copy(idx_hbm.at[pl.ds(off, chunk)], idx_v)
            pltpu.async_copy(table_hbm.at[idx_v], rows_v, sem).wait()
            pltpu.sync_copy(rows_v, out_hbm.at[pl.ds(off, chunk)])
            return ()

        lax.fori_loop(0, n_chunks, body, ())

    return k(table, idx)


_BP = 3840


@functools.lru_cache(maxsize=1)
def _rep_idx_const():
    return np.repeat(np.arange(E, dtype=np.int32), SK)


def _bias_kernel(a_ref, b_ref, wbt_ref, eps_ref, out_ref):
    i0 = jax.lax.broadcasted_iota(jnp.int32, (_TDB, _TDB), 0)
    i1 = jax.lax.broadcasted_iota(jnp.int32, (_TDB, _TDB), 1)
    ident = jnp.where(i0 == i1, 1.0, 0.0).astype(jnp.float32)
    at = jax.lax.dot_general(ident, a_ref[...], (((1,), (1,)), ((), ())),
                             preferred_element_type=jnp.float32)
    bt = jax.lax.dot_general(ident, b_ref[...], (((1,), (1,)), ((), ())),
                             preferred_element_type=jnp.float32)
    e = eps_ref[0, 0]
    x = at[0:1] - bt[0:1] + e
    y = at[1:2] - bt[1:2] + e
    z = at[2:3] - bt[2:3] + e
    dist = jnp.sqrt(x * x + y * y + z * z)
    mu = jax.lax.broadcasted_iota(jnp.int32, (NUM_RBF, _BP), 0)\
        .astype(jnp.float32) * _MU_STEP
    arg = (dist - mu) * _INV_SIGMA
    phi = jnp.exp(-(arg * arg))
    ones = jnp.ones((1, _BP), jnp.float32)
    phi_ext = jnp.concatenate([phi, ones], axis=0)
    raw = jnp.dot(wbt_ref[...], phi_ext,
                  preferred_element_type=jnp.float32)
    gs = at[3 : 3 + H] + bt[3 : 3 + H]
    out_ref[...] = jax.nn.sigmoid(gs) * raw


def _gate_proj_kernel(nf_ref, w_ref, out_ref):
    out_ref[...] = jnp.dot(nf_ref[...], w_ref[...],
                           preferred_element_type=jnp.float32)


def _main_kernel(edges_ref, bias_ref,
                 wq_ref, wk_ref, wv_ref, wo_ref,
                 bq_ref, bk_ref, bv_ref, bo_ref, out_ref):
    e = edges_ref[...]
    q = jnp.dot(e, wq_ref[...],
                preferred_element_type=jnp.float32) + bq_ref[...]
    e_sub = e.reshape(BN, K, C_Z)[:, :SK, :].reshape(BSK, C_Z)
    ks = jnp.dot(e_sub, wk_ref[...],
                 preferred_element_type=jnp.float32) + bk_ref[...]
    vs = jnp.dot(e_sub, wv_ref[...],
                 preferred_element_type=jnp.float32) + bv_ref[...]

    row_bn = jax.lax.broadcasted_iota(jnp.int32, (BNK, BSK), 0) // K
    col_bn = jax.lax.broadcasted_iota(jnp.int32, (BNK, BSK), 1) // SK
    mask = row_bn == col_bn

    u_parts = []
    for h in range(H):
        bias = bias_ref[h]
        qh = q[:, h * DH : (h + 1) * DH]
        kh = ks[:, h * DH : (h + 1) * DH]
        s = jax.lax.dot_general(qh, kh, (((1,), (1,)), ((), ())),
                                preferred_element_type=jnp.float32) * _SCALE
        bias_big = jnp.concatenate([bias] * BN, axis=1)
        s = jnp.where(mask, s + bias_big, -1e30)
        m = jnp.max(s, axis=1, keepdims=True)
        p = jnp.exp(s - m)
        p = p / jnp.sum(p, axis=1, keepdims=True)
        vh = vs[:, h * DH : (h + 1) * DH]
        u_parts.append(jnp.dot(p, vh, preferred_element_type=jnp.float32))
    u = jnp.concatenate(u_parts, axis=1)
    out_ref[...] = jnp.dot(u, wo_ref[...],
                           preferred_element_type=jnp.float32) + bo_ref[...]


def kernel(node_features, rigids, edge_features, edge_index,
           W_gate, b_gate, W_bias, b_bias, W_qk, b_qk, W_v, b_v,
           W_out, b_out, eps):
    dst = edge_index[0].reshape(N, K)
    perm_flat = jnp.asarray(_perm_flat_const())

    w_cat = jnp.concatenate([W_gate[:C_S], W_gate[C_S:]], axis=1)
    g = pl.pallas_call(
        _gate_proj_kernel,
        out_shape=jax.ShapeDtypeStruct((N, 2 * H), jnp.float32),
    )(node_features, w_cat)

    g_b = g + jnp.concatenate([b_gate, jnp.zeros((H,), jnp.float32)])
    table = jnp.concatenate(
        [rigids, g_b, jnp.zeros((N, _TD - 3 - 2 * H), jnp.float32)], axis=1)
    ab_edge = _sc_gather(table, dst.reshape(-1).astype(jnp.int32),
                         E, _TD, 720)
    pad1 = jnp.zeros((E, _TDB - 3 - H), jnp.float32)
    a_et = jnp.concatenate([ab_edge[:, 0:3], ab_edge[:, 3:3 + H], pad1], 1)
    b_et = jnp.concatenate(
        [ab_edge[:, 0:3], ab_edge[:, 3 + H : 3 + 2 * H], pad1], 1)
    a8 = _sc_gather(a_et, jnp.asarray(_rep_idx_const()), E * SK, _TDB, 1800)
    b8 = _sc_gather(b_et, perm_flat, E * SK, _TDB, 1800)

    wbt_ext = jnp.concatenate(
        [W_bias.T, b_bias.reshape(H, 1)], axis=1)
    n_bias_blocks = (E * SK) // _BP
    bias_flat = pl.pallas_call(
        _bias_kernel,
        grid=(n_bias_blocks,),
        in_specs=[
            pl.BlockSpec((_BP, _TDB), lambda i: (i, 0)),
            pl.BlockSpec((_BP, _TDB), lambda i: (i, 0)),
            pl.BlockSpec((H, NUM_RBF + 1), lambda i: (0, 0)),
            pl.BlockSpec((1, 1), lambda i: (0, 0)),
        ],
        out_specs=pl.BlockSpec((H, _BP), lambda i: (0, i)),
        out_shape=jax.ShapeDtypeStruct((H, E * SK), jnp.float32),
    )(a8, b8, wbt_ext, jnp.asarray(eps, jnp.float32).reshape(1, 1))
    bias_t = bias_flat.reshape(H, N * K, SK)

    wq = W_qk[:, :C_Z]
    wk = W_qk[:, C_Z:]
    bq = b_qk[:C_Z].reshape(1, C_Z)
    bk = b_qk[C_Z:].reshape(1, C_Z)
    bv = b_v.reshape(1, C_Z)
    bo = b_out.reshape(1, C_Z)

    grid = (N // BN,)
    out = pl.pallas_call(
        _main_kernel,
        grid=grid,
        in_specs=[
            pl.BlockSpec((BNK, C_Z), lambda i: (i, 0)),
            pl.BlockSpec((H, BNK, SK), lambda i: (0, i, 0)),
            pl.BlockSpec((C_Z, C_Z), lambda i: (0, 0)),
            pl.BlockSpec((C_Z, C_Z), lambda i: (0, 0)),
            pl.BlockSpec((C_Z, C_Z), lambda i: (0, 0)),
            pl.BlockSpec((C_Z, C_Z), lambda i: (0, 0)),
            pl.BlockSpec((1, C_Z), lambda i: (0, 0)),
            pl.BlockSpec((1, C_Z), lambda i: (0, 0)),
            pl.BlockSpec((1, C_Z), lambda i: (0, 0)),
            pl.BlockSpec((1, C_Z), lambda i: (0, 0)),
        ],
        out_specs=pl.BlockSpec((BNK, C_Z), lambda i: (i, 0)),
        out_shape=jax.ShapeDtypeStruct((E, C_Z), jnp.float32),
    )(edge_features, bias_t, wq, wk, W_v, W_out, bq, bk, bv, bo)
    return out

# --- scband reference (transcript-rebuilt; emitter-appended) ---
"""Pipeline reference for scband-sparse-subsampled-triangle-attention-7627861918047 (READ-ONLY COPY).

The authoritative reference and input builder live on the scoring server;
editing this copy changes nothing except your own understanding.
"""

import jax, jax.numpy as jnp
import numpy as np

N = 384
K = 60
SK = 20
C_S = 384
C_Z = 128
H = 4
NUM_RBF = 64
DH = C_Z // H
E = N * K


def _rbf(D, D_min=0.0, D_max=20.0, D_count=64):
    D_mu = jnp.linspace(D_min, D_max, D_count)
    D_sigma = (D_max - D_min) / D_count
    return jnp.exp(-(((D[..., None] - D_mu) / D_sigma) ** 2))


def setup_inputs(seed: int = 0):
    key = jax.random.key(seed)
    ks = jax.random.split(key, 10)
    node_features = jax.random.normal(ks[0], (N, C_S), dtype=jnp.float32)
    rigids = jax.random.normal(ks[1], (N, 3), dtype=jnp.float32) * 10.0
    edge_features = jax.random.normal(ks[2], (E, C_Z), dtype=jnp.float32)
    edge_index = jax.random.randint(ks[3], (2, E), 0, N)
    W_gate = jax.random.normal(ks[4], (2 * C_S, H), dtype=jnp.float32) / np.sqrt(2 * C_S)
    b_gate = jnp.zeros((H,), jnp.float32)
    W_bias = jax.random.normal(ks[5], (NUM_RBF, H), dtype=jnp.float32) / np.sqrt(NUM_RBF)
    b_bias = jnp.zeros((H,), jnp.float32)
    W_qk = jax.random.normal(ks[6], (C_Z, 2 * C_Z), dtype=jnp.float32) / np.sqrt(C_Z)
    b_qk = jnp.zeros((2 * C_Z,), jnp.float32)
    W_v = jax.random.normal(ks[7], (C_Z, C_Z), dtype=jnp.float32) / np.sqrt(C_Z)
    b_v = jnp.zeros((C_Z,), jnp.float32)
    W_out = jax.random.normal(ks[8], (C_Z, C_Z), dtype=jnp.float32) * (0.1 / np.sqrt(C_Z))
    b_out = jnp.zeros((C_Z,), jnp.float32)
    return {
        'node_features': node_features,
        'rigids': rigids,
        'edge_features': edge_features,
        'edge_index': edge_index,
        'W_gate': W_gate, 'b_gate': b_gate,
        'W_bias': W_bias, 'b_bias': b_bias,
        'W_qk': W_qk, 'b_qk': b_qk,
        'W_v': W_v, 'b_v': b_v,
        'W_out': W_out, 'b_out': b_out,
        'eps': jnp.float32(1e-8),
    }


def reference(node_features, rigids, edge_features, edge_index,
              W_gate, b_gate, W_bias, b_bias, W_qk, b_qk, W_v, b_v, W_out, b_out,
              eps=1e-8):
    # assume_sorted=True path: edge_index already grouped by dst node, k per node
    semidense_dst = edge_index[0].reshape(N, K)
    edge1 = jnp.broadcast_to(semidense_dst[:, :, None], (N, K, SK))
    # per-(node, edge) random permutation of the k neighbors; take first SK
    u = jax.random.uniform(jax.random.key(42), (N, K, K))
    subsample_idx = jnp.argsort(u, axis=-1)[..., :SK]
    edge2 = jnp.take_along_axis(
        jnp.broadcast_to(semidense_dst[:, None, :], (N, K, K)), subsample_idx, axis=-1)
    # gather node features for triangle endpoints
    n1 = node_features[edge1]
    n2 = node_features[edge2]
    gate = jax.nn.sigmoid(jnp.concatenate([n1, n2], axis=-1) @ W_gate + b_gate)
    t1 = rigids[edge1]
    t2 = rigids[edge2]
    dist = jnp.linalg.norm(t1 - t2 + eps, axis=-1)
    dist_feat = _rbf(dist, D_count=NUM_RBF)
    dist_bias = gate * (dist_feat @ W_bias + b_bias)
    edges = edge_features.reshape(N, K, C_Z)
    qk = edges @ W_qk + b_qk
    q = qk[..., :C_Z].reshape(N, K, H, DH)
    kk = qk[..., C_Z:].reshape(N, K, H, DH)
    # NOTE: the torch code gathers along the EXPANDED dim (dim=1), which makes the
    # gather index-independent: result is edge_k[n, j] for j in [0, SK). Replicated
    # faithfully here via a slice+broadcast.
    k_g = jnp.broadcast_to(kk[:, None, :SK, :, :], (N, K, SK, H, DH))
    attn = jnp.sum(q[:, :, None] * k_g, axis=-1) * (1.0 / np.sqrt(C_Z))
    attn = attn + dist_bias
    attn = jax.nn.softmax(attn, axis=-2)
    v = (edges @ W_v + b_v).reshape(N, K, H, DH)
    v_g = jnp.broadcast_to(v[:, None, :SK, :, :], (N, K, SK, H, DH))
    edge_update = jnp.sum(v_g * attn[..., None], axis=-3)
    out = edge_update.reshape(E, C_Z) @ W_out + b_out
    return out

if __name__ == "__main__":
    import jax
    _d = setup_inputs()
    print(jax.jit(kernel)(*tuple(_d.values())))

</pallas_src>

<mosaic_0001>
#map = affine_map<(d0, d1) -> (0, 0)>
#map1 = affine_map<(d0, d1) -> (0)>
module attributes {stable_mosaic.version = 14 : i64} {
  func.func @k(%arg0: i32, %arg1: i32, %arg2: memref<23040x8xf32, #tpu.memory_space<hbm>>, %arg3: memref<460800xi32, #tpu.memory_space<hbm>>, %arg4: memref<460800x8xf32, #tpu.memory_space<hbm>>, %arg5: memref<1800xi32, #tpu.memory_space<vmem>>, %arg6: memref<1800x8xf32, #tpu.memory_space<vmem>>, %arg7: memref<!tpu.dma_semaphore, #tpu.memory_space<semaphore_mem>>) attributes {dimension_semantics = [#tpu.dimension_semantics<core_parallel>, #tpu.dimension_semantics<subcore_parallel>], iteration_bounds = array<i64: 2, 16>, scalar_prefetch = 0 : i64, scratch_operands = 3 : i64, tpu.core_type = #tpu.core_type<sc_vector_subcore>, window_params = [{transform_indices = #map}, {transform_indices = #map1}, {transform_indices = #map}]} {
    %mul3A = arith.constant 2 : i32
    %mul3A_0 = arith.muli %arg1, %mul3A : i32
    %add3A = arith.addi %mul3A_0, %arg0 : i32
    %mul3A_1 = arith.constant 14400 : i32
    %mul3A_2 = arith.muli %add3A, %mul3A_1 : i32
    %scan3A = arith.constant 0 : i32
    %scan3A_3 = arith.constant 8 : i32
    %scan3A_4 = arith.addi %scan3A, %scan3A_3 : i32
    %scan3A_5 = arith.constant 1 : i32
    scf.for %scan3A_7 = %scan3A to %scan3A_4 step %scan3A_5  : i32 {
      %mul3A_8 = arith.constant 1800 : i32
      %mul3A_9 = arith.muli %scan3A_7, %mul3A_8 : i32
      %add3A_10 = arith.addi %mul3A_2, %mul3A_9 : i32
      "tpu.region"() ({
        %run_scoped3A = tpu.sem_alloc : memref<!tpu.dma_semaphore, #tpu.memory_space<semaphore_mem>>
        %dma_start3A_15 = tpu.memref_slice %arg3[%add3A_10] : memref<460800xi32, #tpu.memory_space<hbm>> -> memref<1800xi32, #tpu.memory_space<hbm>>
        %dma_start3A_16 = tpu.memref_slice %arg3[%add3A_10] : memref<460800xi32, #tpu.memory_space<hbm>> -> memref<1800xi32, #tpu.memory_space<hbm>>
        tpu.enqueue_dma source(%dma_start3A_16 : memref<1800xi32, #tpu.memory_space<hbm>>) target(%arg5 : memref<1800xi32, #tpu.memory_space<vmem>>) target_semaphore(%run_scoped3A : memref<!tpu.dma_semaphore, #tpu.memory_space<semaphore_mem>>)
        %dma_wait3A_17 = tpu.memref_slice %arg3[%add3A_10] : memref<460800xi32, #tpu.memory_space<hbm>> -> memref<1800xi32, #tpu.memory_space<hbm>>
        %dma_wait3A_18 = tpu.memref_slice %arg3[%add3A_10] : memref<460800xi32, #tpu.memory_space<hbm>> -> memref<1800xi32, #tpu.memory_space<hbm>>
        tpu.wait_dma2 semaphore(%run_scoped3A : memref<!tpu.dma_semaphore, #tpu.memory_space<semaphore_mem>>) src(%dma_wait3A_18 : memref<1800xi32, #tpu.memory_space<hbm>>) dst(%arg5 : memref<1800xi32, #tpu.memory_space<vmem>>)
        tpu.yield
      }) : () -> ()
      %dma_start3A = arith.constant 0 : i32
      %dma_start3A_11 = arith.constant 0 : i32
      %dma_start3A_12 = tpu.memref_slice %arg2[%dma_start3A, %dma_start3A_11] : memref<23040x8xf32, #tpu.memory_space<hbm>> -> memref<23040x8xf32, #tpu.memory_space<hbm>>
      tpu.enqueue_indirect_dma source(%dma_start3A_12 : memref<23040x8xf32, #tpu.memory_space<hbm>>) target(%arg6 : memref<1800x8xf32, #tpu.memory_space<vmem>>) offsets(%arg5 : memref<1800xi32, #tpu.memory_space<vmem>>) semaphore(%arg7 : memref<!tpu.dma_semaphore, #tpu.memory_space<semaphore_mem>>)
      %dma_wait3A = arith.constant 0 : i32
      %dma_wait3A_13 = arith.constant 0 : i32
      %dma_wait3A_14 = tpu.memref_slice %arg2[%dma_wait3A, %dma_wait3A_13] : memref<23040x8xf32, #tpu.memory_space<hbm>> -> memref<23040x8xf32, #tpu.memory_space<hbm>>
      tpu.wait_indirect_dma semaphore(%arg7 : memref<!tpu.dma_semaphore, #tpu.memory_space<semaphore_mem>>) src(%dma_wait3A_14 : memref<23040x8xf32, #tpu.memory_space<hbm>>) dst(%arg6 : memref<1800x8xf32, #tpu.memory_space<vmem>>)
      "tpu.region"() ({
        %run_scoped3A = tpu.sem_alloc : memref<!tpu.dma_semaphore, #tpu.memory_space<semaphore_mem>>
        %dma_start3A_15 = arith.constant 0 : i32
        %dma_start3A_16 = tpu.memref_slice %arg4[%add3A_10, %dma_start3A_15] : memref<460800x8xf32, #tpu.memory_space<hbm>> -> memref<1800x8xf32, #tpu.memory_space<hbm>>
        %dma_start3A_17 = arith.constant 0 : i32
        %dma_start3A_18 = tpu.memref_slice %arg4[%add3A_10, %dma_start3A_17] : memref<460800x8xf32, #tpu.memory_space<hbm>> -> memref<1800x8xf32, #tpu.memory_space<hbm>>
        tpu.enqueue_dma source(%arg6 : memref<1800x8xf32, #tpu.memory_space<vmem>>) target(%dma_start3A_18 : memref<1800x8xf32, #tpu.memory_space<hbm>>) target_semaphore(%run_scoped3A : memref<!tpu.dma_semaphore, #tpu.memory_space<semaphore_mem>>)
        %dma_wait3A_19 = arith.constant 0 : i32
        %dma_wait3A_20 = tpu.memref_slice %arg4[%add3A_10, %dma_wait3A_19] : memref<460800x8xf32, #tpu.memory_space<hbm>> -> memref<1800x8xf32, #tpu.memory_space<hbm>>
        %dma_wait3A_21 = arith.constant 0 : i32
        %dma_wait3A_22 = tpu.memref_slice %arg4[%add3A_10, %dma_wait3A_21] : memref<460800x8xf32, #tpu.memory_space<hbm>> -> memref<1800x8xf32, #tpu.memory_space<hbm>>
        tpu.wait_dma2 semaphore(%run_scoped3A : memref<!tpu.dma_semaphore, #tpu.memory_space<semaphore_mem>>) src(%arg6 : memref<1800x8xf32, #tpu.memory_space<vmem>>) dst(%dma_wait3A_22 : memref<1800x8xf32, #tpu.memory_space<hbm>>)
        tpu.yield
      }) : () -> ()
    }
    %scan3A_6 = arith.constant 8 : i32
    return
  }
}

#map = affine_map<(d0, d1) -> (0, 0)>
#map1 = affine_map<(d0, d1) -> (0)>
module attributes {stable_mosaic.version = 14 : i64} {
  func.func @k(%arg0: i32, %arg1: i32, %arg2: memref<384x16xf32, #tpu.memory_space<hbm>>, %arg3: memref<23040xi32, #tpu.memory_space<hbm>>, %arg4: memref<23040x16xf32, #tpu.memory_space<hbm>>, %arg5: memref<720xi32, #tpu.memory_space<vmem>>, %arg6: memref<720x16xf32, #tpu.memory_space<vmem>>, %arg7: memref<!tpu.dma_semaphore, #tpu.memory_space<semaphore_mem>>) attributes {dimension_semantics = [#tpu.dimension_semantics<core_parallel>, #tpu.dimension_semantics<subcore_parallel>], iteration_bounds = array<i64: 2, 16>, scalar_prefetch = 0 : i64, scratch_operands = 3 : i64, tpu.core_type = #tpu.core_type<sc_vector_subcore>, window_params = [{transform_indices = #map}, {transform_indices = #map1}, {transform_indices = #map}]} {
    %mul3A = arith.constant 2 : i32
    %mul3A_0 = arith.muli %arg1, %mul3A : i32
    %add3A = arith.addi %mul3A_0, %arg0 : i32
    %mul3A_1 = arith.constant 720 : i32
    %mul3A_2 = arith.muli %add3A, %mul3A_1 : i32
    %scan3A = arith.constant 0 : i32
    %mul3A_3 = arith.constant 720 : i32
    %mul3A_4 = arith.muli %scan3A, %mul3A_3 : i32
    %add3A_5 = arith.addi %mul3A_2, %mul3A_4 : i32
    "tpu.region"() ({
      %run_scoped3A = tpu.sem_alloc : memref<!tpu.dma_semaphore, #tpu.memory_space<semaphore_mem>>
      %dma_start3A_11 = tpu.memref_slice %arg3[%add3A_5] : memref<23040xi32, #tpu.memory_space<hbm>> -> memref<720xi32, #tpu.memory_space<hbm>>
      %dma_start3A_12 = tpu.memref_slice %arg3[%add3A_5] : memref<23040xi32, #tpu.memory_space<hbm>> -> memref<720xi32, #tpu.memory_space<hbm>>
      tpu.enqueue_dma source(%dma_start3A_12 : memref<720xi32, #tpu.memory_space<hbm>>) target(%arg5 : memref<720xi32, #tpu.memory_space<vmem>>) target_semaphore(%run_scoped3A : memref<!tpu.dma_semaphore, #tpu.memory_space<semaphore_mem>>)
      %dma_wait3A_13 = tpu.memref_slice %arg3[%add3A_5] : memref<23040xi32, #tpu.memory_space<hbm>> -> memref<720xi32, #tpu.memory_space<hbm>>
      %dma_wait3A_14 = tpu.memref_slice %arg3[%add3A_5] : memref<23040xi32, #tpu.memory_space<hbm>> -> memref<720xi32, #tpu.memory_space<hbm>>
      tpu.wait_dma2 semaphore(%run_scoped3A : memref<!tpu.dma_semaphore, #tpu.memory_space<semaphore_mem>>) src(%dma_wait3A_14 : memref<720xi32, #tpu.memory_space<hbm>>) dst(%arg5 : memref<720xi32, #tpu.memory_space<vmem>>)
      tpu.yield
    }) : () -> ()
    %dma_start3A = arith.constant 0 : i32
    %dma_start3A_6 = arith.constant 0 : i32
    %dma_start3A_7 = tpu.memref_slice %arg2[%dma_start3A, %dma_start3A_6] : memref<384x16xf32, #tpu.memory_space<hbm>> -> memref<384x16xf32, #tpu.memory_space<hbm>>
    tpu.enqueue_indirect_dma source(%dma_start3A_7 : memref<384x16xf32, #tpu.memory_space<hbm>>) target(%arg6 : memref<720x16xf32, #tpu.memory_space<vmem>>) offsets(%arg5 : memref<720xi32, #tpu.memory_space<vmem>>) semaphore(%arg7 : memref<!tpu.dma_semaphore, #tpu.memory_space<semaphore_mem>>)
    %dma_wait3A = arith.constant 0 : i32
    %dma_wait3A_8 = arith.constant 0 : i32
    %dma_wait3A_9 = tpu.memref_slice %arg2[%dma_wait3A, %dma_wait3A_8] : memref<384x16xf32, #tpu.memory_space<hbm>> -> memref<384x16xf32, #tpu.memory_space<hbm>>
    tpu.wait_indirect_dma semaphore(%arg7 : memref<!tpu.dma_semaphore, #tpu.memory_space<semaphore_mem>>) src(%dma_wait3A_9 : memref<384x16xf32, #tpu.memory_space<hbm>>) dst(%arg6 : memref<720x16xf32, #tpu.memory_space<vmem>>)
    "tpu.region"() ({
      %run_scoped3A = tpu.sem_alloc : memref<!tpu.dma_semaphore, #tpu.memory_space<semaphore_mem>>
      %dma_start3A_11 = arith.constant 0 : i32
      %dma_start3A_12 = tpu.memref_slice %arg4[%add3A_5, %dma_start3A_11] : memref<23040x16xf32, #tpu.memory_space<hbm>> -> memref<720x16xf32, #tpu.memory_space<hbm>>
      %dma_start3A_13 = arith.constant 0 : i32
      %dma_start3A_14 = tpu.memref_slice %arg4[%add3A_5, %dma_start3A_13] : memref<23040x16xf32, #tpu.memory_space<hbm>> -> memref<720x16xf32, #tpu.memory_space<hbm>>
      tpu.enqueue_dma source(%arg6 : memref<720x16xf32, #tpu.memory_space<vmem>>) target(%dma_start3A_14 : memref<720x16xf32, #tpu.memory_space<hbm>>) target_semaphore(%run_scoped3A : memref<!tpu.dma_semaphore, #tpu.memory_space<semaphore_mem>>)
      %dma_wait3A_15 = arith.constant 0 : i32
      %dma_wait3A_16 = tpu.memref_slice %arg4[%add3A_5, %dma_wait3A_15] : memref<23040x16xf32, #tpu.memory_space<hbm>> -> memref<720x16xf32, #tpu.memory_space<hbm>>
      %dma_wait3A_17 = arith.constant 0 : i32
      %dma_wait3A_18 = tpu.memref_slice %arg4[%add3A_5, %dma_wait3A_17] : memref<23040x16xf32, #tpu.memory_space<hbm>> -> memref<720x16xf32, #tpu.memory_space<hbm>>
      tpu.wait_dma2 semaphore(%run_scoped3A : memref<!tpu.dma_semaphore, #tpu.memory_space<semaphore_mem>>) src(%arg6 : memref<720x16xf32, #tpu.memory_space<vmem>>) dst(%dma_wait3A_18 : memref<720x16xf32, #tpu.memory_space<hbm>>)
      tpu.yield
    }) : () -> ()
    %scan3A_10 = arith.constant 1 : i32
    return
  }
}

#map = affine_map<(d0, d1) -> (0, 0)>
#map1 = affine_map<(d0, d1) -> (0)>
module attributes {stable_mosaic.version = 14 : i64} {
  func.func @k(%arg0: i32, %arg1: i32, %arg2: memref<23040x8xf32, #tpu.memory_space<hbm>>, %arg3: memref<460800xi32, #tpu.memory_space<hbm>>, %arg4: memref<460800x8xf32, #tpu.memory_space<hbm>>, %arg5: memref<1800xi32, #tpu.memory_space<vmem>>, %arg6: memref<1800x8xf32, #tpu.memory_space<vmem>>, %arg7: memref<!tpu.dma_semaphore, #tpu.memory_space<semaphore_mem>>) attributes {dimension_semantics = [#tpu.dimension_semantics<core_parallel>, #tpu.dimension_semantics<subcore_parallel>], iteration_bounds = array<i64: 2, 16>, scalar_prefetch = 0 : i64, scratch_operands = 3 : i64, tpu.core_type = #tpu.core_type<sc_vector_subcore>, window_params = [{transform_indices = #map}, {transform_indices = #map1}, {transform_indices = #map}]} {
    %mul3A = arith.constant 2 : i32
    %mul3A_0 = arith.muli %arg1, %mul3A : i32
    %add3A = arith.addi %mul3A_0, %arg0 : i32
    %mul3A_1 = arith.constant 14400 : i32
    %mul3A_2 = arith.muli %add3A, %mul3A_1 : i32
    %scan3A = arith.constant 0 : i32
    %scan3A_3 = arith.constant 8 : i32
    %scan3A_4 = arith.addi %scan3A, %scan3A_3 : i32
    %scan3A_5 = arith.constant 1 : i32
    scf.for %scan3A_7 = %scan3A to %scan3A_4 step %scan3A_5  : i32 {
      %mul3A_8 = arith.constant 1800 : i32
      %mul3A_9 = arith.muli %scan3A_7, %mul3A_8 : i32
      %add3A_10 = arith.addi %mul3A_2, %mul3A_9 : i32
      "tpu.region"() ({
        %run_scoped3A = tpu.sem_alloc : memref<!tpu.dma_semaphore, #tpu.memory_space<semaphore_mem>>
        %dma_start3A_15 = tpu.memref_slice %arg3[%add3A_10] : memref<460800xi32, #tpu.memory_space<hbm>> -> memref<1800xi32, #tpu.memory_space<hbm>>
        %dma_start3A_16 = tpu.memref_slice %arg3[%add3A_10] : memref<460800xi32, #tpu.memory_space<hbm>> -> memref<1800xi32, #tpu.memory_space<hbm>>
        tpu.enqueue_dma source(%dma_start3A_16 : memref<1800xi32, #tpu.memory_space<hbm>>) target(%arg5 : memref<1800xi32, #tpu.memory_space<vmem>>) target_semaphore(%run_scoped3A : memref<!tpu.dma_semaphore, #tpu.memory_space<semaphore_mem>>)
        %dma_wait3A_17 = tpu.memref_slice %arg3[%add3A_10] : memref<460800xi32, #tpu.memory_space<hbm>> -> memref<1800xi32, #tpu.memory_space<hbm>>
        %dma_wait3A_18 = tpu.memref_slice %arg3[%add3A_10] : memref<460800xi32, #tpu.memory_space<hbm>> -> memref<1800xi32, #tpu.memory_space<hbm>>
        tpu.wait_dma2 semaphore(%run_scoped3A : memref<!tpu.dma_semaphore, #tpu.memory_space<semaphore_mem>>) src(%dma_wait3A_18 : memref<1800xi32, #tpu.memory_space<hbm>>) dst(%arg5 : memref<1800xi32, #tpu.memory_space<vmem>>)
        tpu.yield
      }) : () -> ()
      %dma_start3A = arith.constant 0 : i32
      %dma_start3A_11 = arith.constant 0 : i32
      %dma_start3A_12 = tpu.memref_slice %arg2[%dma_start3A, %dma_start3A_11] : memref<23040x8xf32, #tpu.memory_space<hbm>> -> memref<23040x8xf32, #tpu.memory_space<hbm>>
      tpu.enqueue_indirect_dma source(%dma_start3A_12 : memref<23040x8xf32, #tpu.memory_space<hbm>>) target(%arg6 : memref<1800x8xf32, #tpu.memory_space<vmem>>) offsets(%arg5 : memref<1800xi32, #tpu.memory_space<vmem>>) semaphore(%arg7 : memref<!tpu.dma_semaphore, #tpu.memory_space<semaphore_mem>>)
      %dma_wait3A = arith.constant 0 : i32
      %dma_wait3A_13 = arith.constant 0 : i32
      %dma_wait3A_14 = tpu.memref_slice %arg2[%dma_wait3A, %dma_wait3A_13] : memref<23040x8xf32, #tpu.memory_space<hbm>> -> memref<23040x8xf32, #tpu.memory_space<hbm>>
      tpu.wait_indirect_dma semaphore(%arg7 : memref<!tpu.dma_semaphore, #tpu.memory_space<semaphore_mem>>) src(%dma_wait3A_14 : memref<23040x8xf32, #tpu.memory_space<hbm>>) dst(%arg6 : memref<1800x8xf32, #tpu.memory_space<vmem>>)
      "tpu.region"() ({
        %run_scoped3A = tpu.sem_alloc : memref<!tpu.dma_semaphore, #tpu.memory_space<semaphore_mem>>
        %dma_start3A_15 = arith.constant 0 : i32
        %dma_start3A_16 = tpu.memref_slice %arg4[%add3A_10, %dma_start3A_15] : memref<460800x8xf32, #tpu.memory_space<hbm>> -> memref<1800x8xf32, #tpu.memory_space<hbm>>
        %dma_start3A_17 = arith.constant 0 : i32
        %dma_start3A_18 = tpu.memref_slice %arg4[%add3A_10, %dma_start3A_17] : memref<460800x8xf32, #tpu.memory_space<hbm>> -> memref<1800x8xf32, #tpu.memory_space<hbm>>
        tpu.enqueue_dma source(%arg6 : memref<1800x8xf32, #tpu.memory_space<vmem>>) target(%dma_start3A_18 : memref<1800x8xf32, #tpu.memory_space<hbm>>) target_semaphore(%run_scoped3A : memref<!tpu.dma_semaphore, #tpu.memory_space<semaphore_mem>>)
        %dma_wait3A_19 = arith.constant 0 : i32
        %dma_wait3A_20 = tpu.memref_slice %arg4[%add3A_10, %dma_wait3A_19] : memref<460800x8xf32, #tpu.memory_space<hbm>> -> memref<1800x8xf32, #tpu.memory_space<hbm>>
        %dma_wait3A_21 = arith.constant 0 : i32
        %dma_wait3A_22 = tpu.memref_slice %arg4[%add3A_10, %dma_wait3A_21] : memref<460800x8xf32, #tpu.memory_space<hbm>> -> memref<1800x8xf32, #tpu.memory_space<hbm>>
        tpu.wait_dma2 semaphore(%run_scoped3A : memref<!tpu.dma_semaphore, #tpu.memory_space<semaphore_mem>>) src(%arg6 : memref<1800x8xf32, #tpu.memory_space<vmem>>) dst(%dma_wait3A_22 : memref<1800x8xf32, #tpu.memory_space<hbm>>)
        tpu.yield
      }) : () -> ()
    }
    %scan3A_6 = arith.constant 8 : i32
    return
  }
}

module attributes {stable_mosaic.version = 14 : i64} {
  func.func @_gate_proj_kernel(%arg0: memref<384x384xf32, #tpu.memory_space<vmem>>, %arg1: memref<384x8xf32, #tpu.memory_space<vmem>>, %arg2: memref<384x8xf32, #tpu.memory_space<vmem>>) attributes {dimension_semantics = [], scalar_prefetch = 0 : i64, scratch_operands = 0 : i64, tpu.core_type = #tpu.core_type<tc>} {
    %get3A = arith.constant 0 : index
    %get3A_0 = arith.constant 0 : index
    %get3A_1 = vector.load %arg0[%get3A, %get3A_0] : memref<384x384xf32, #tpu.memory_space<vmem>>, vector<384x384xf32>
    %get3A_2 = arith.constant 0 : index
    %get3A_3 = arith.constant 0 : index
    %get3A_4 = vector.load %arg1[%get3A_2, %get3A_3] : memref<384x8xf32, #tpu.memory_space<vmem>>, vector<384x8xf32>
    %dot_general3A = arith.constant dense<0.000000e+00> : vector<384x8xf32>
    %dot_general3A_5 = tpu.matmul %get3A_1, %get3A_4, %dot_general3A {dimension_numbers = #tpu.dot_dimension_numbers<[1], [0], [0], [1], [0, 0, 1, 1], [], []>, transpose_lhs_hint = false} : vector<384x384xf32>, vector<384x8xf32>, vector<384x8xf32> -> vector<384x8xf32>
    %swap3A = arith.constant 0 : index
    %swap3A_6 = arith.constant 0 : index
    %swap3A_7 = vector.load %arg2[%swap3A, %swap3A_6] : memref<384x8xf32, #tpu.memory_space<vmem>>, vector<384x8xf32>
    tpu.vector_store %arg2[%swap3A, %swap3A_6], %dot_general3A_5 {strides = array<i32>} : memref<384x8xf32, #tpu.memory_space<vmem>>, vector<384x8xf32>,
    return
  }
}

module attributes {stable_mosaic.version = 14 : i64} {
  func.func @_bias_kernel(%arg0: i32, %arg1: memref<3840x8xf32, #tpu.memory_space<vmem>>, %arg2: memref<3840x8xf32, #tpu.memory_space<vmem>>, %arg3: memref<4x65xf32, #tpu.memory_space<vmem>>, %arg4: memref<1x1xf32, #tpu.memory_space<vmem>>, %arg5: memref<4x3840xf32, #tpu.memory_space<vmem>>) attributes {dimension_semantics = [#tpu.dimension_semantics<arbitrary>], iteration_bounds = array<i64: 120>, scalar_prefetch = 0 : i64, scratch_operands = 0 : i64, tpu.core_type = #tpu.core_type<tc>, window_params = [{transform_indices = @transform_0, window_bounds = array<i64: 3840, 8>}, {transform_indices = @transform_1, window_bounds = array<i64: 3840, 8>}, {pipeline_mode = #tpu.pipeline_mode<synchronous>, transform_indices = @transform_2, window_bounds = array<i64: 4, 65>}, {pipeline_mode = #tpu.pipeline_mode<synchronous>, transform_indices = @transform_3, window_bounds = array<i64: 1, 1>}, {transform_indices = @transform_4, window_bounds = array<i64: 4, 3840>}]} {
    %iota3A = tpu.iota {dimensions = array<i32: 0>} : vector<8x8xi32>
    %iota3A_0 = tpu.iota {dimensions = array<i32: 1>} : vector<8x8xi32>
    %eq3A = arith.cmpi eq, %iota3A, %iota3A_0 : vector<8x8xi32>
    %jit3A = arith.constant 1.000000e+00 : f32
    %jit3A_1 = arith.constant 0.000000e+00 : f32
    %broadcast_in_dim3A = vector.broadcast %jit3A : f32 to vector<8x8xf32>
    %broadcast_in_dim3A_2 = vector.broadcast %jit3A_1 : f32 to vector<8x8xf32>
    %select_n3A = arith.select %eq3A, %broadcast_in_dim3A, %broadcast_in_dim3A_2 : vector<8x8xi1>, vector<8x8xf32>
    %get3A = arith.constant 0 : index
    %get3A_3 = arith.constant 0 : index
    %get3A_4 = vector.load %arg1[%get3A, %get3A_3] : memref<3840x8xf32, #tpu.memory_space<vmem>>, vector<3840x8xf32>
    %dot_general3A = arith.constant dense<0.000000e+00> : vector<8x3840xf32>
    %dot_general3A_5 = tpu.matmul %select_n3A, %get3A_4, %dot_general3A {dimension_numbers = #tpu.dot_dimension_numbers<[1], [1], [0], [0], [0, 0, 1, 0], [], []>, transpose_lhs_hint = false} : vector<8x8xf32>, vector<3840x8xf32>, vector<8x3840xf32> -> vector<8x3840xf32>
    %get3A_6 = arith.constant 0 : index
    %get3A_7 = arith.constant 0 : index
    %get3A_8 = vector.load %arg2[%get3A_6, %get3A_7] : memref<3840x8xf32, #tpu.memory_space<vmem>>, vector<3840x8xf32>
    %dot_general3A_9 = arith.constant dense<0.000000e+00> : vector<8x3840xf32>
    %dot_general3A_10 = tpu.matmul %select_n3A, %get3A_8, %dot_general3A_9 {dimension_numbers = #tpu.dot_dimension_numbers<[1], [1], [0], [0], [0, 0, 1, 0], [], []>, transpose_lhs_hint = false} : vector<8x8xf32>, vector<3840x8xf32>, vector<8x3840xf32> -> vector<8x3840xf32>
    %get3A_11 = arith.constant 0 : index
    %get3A_12 = arith.constant 0 : index
    %get3A_13 = vector.load %arg4[%get3A_11, %get3A_12] : memref<1x1xf32, #tpu.memory_space<vmem>>, vector<1x1xf32>
    %get3A_14 = vector.extract %get3A_13[0, 0] : f32 from vector<1x1xf32>
    %slice3A = vector.extract_strided_slice %dot_general3A_5 {offsets = [0, 0], sizes = [1, 3840], strides = [1, 1]} : vector<8x3840xf32> to vector<1x3840xf32>
    %slice3A_15 = vector.extract_strided_slice %dot_general3A_10 {offsets = [0, 0], sizes = [1, 3840], strides = [1, 1]} : vector<8x3840xf32> to vector<1x3840xf32>
    %sub3A = arith.subf %slice3A, %slice3A_15 : vector<1x3840xf32>
    %add3A = vector.broadcast %get3A_14 : f32 to vector<1x3840xf32>
    %add3A_16 = arith.addf %sub3A, %add3A : vector<1x3840xf32>
    %slice3A_17 = vector.extract_strided_slice %dot_general3A_5 {offsets = [1, 0], sizes = [1, 3840], strides = [1, 1]} : vector<8x3840xf32> to vector<1x3840xf32>
    %slice3A_18 = vector.extract_strided_slice %dot_general3A_10 {offsets = [1, 0], sizes = [1, 3840], strides = [1, 1]} : vector<8x3840xf32> to vector<1x3840xf32>
    %sub3A_19 = arith.subf %slice3A_17, %slice3A_18 : vector<1x3840xf32>
    %add3A_20 = vector.broadcast %get3A_14 : f32 to vector<1x3840xf32>
    %add3A_21 = arith.addf %sub3A_19, %add3A_20 : vector<1x3840xf32>
    %slice3A_22 = vector.extract_strided_slice %dot_general3A_5 {offsets = [2, 0], sizes = [1, 3840], strides = [1, 1]} : vector<8x3840xf32> to vector<1x3840xf32>
    %slice3A_23 = vector.extract_strided_slice %dot_general3A_10 {offsets = [2, 0], sizes = [1, 3840], strides = [1, 1]} : vector<8x3840xf32> to vector<1x3840xf32>
    %sub3A_24 = arith.subf %slice3A_22, %slice3A_23 : vector<1x3840xf32>
    %add3A_25 = vector.broadcast %get3A_14 : f32 to vector<1x3840xf32>
    %add3A_26 = arith.addf %sub3A_24, %add3A_25 : vector<1x3840xf32>
    %mul3A = arith.mulf %add3A_16, %add3A_16 : vector<1x3840xf32>
    %mul3A_27 = arith.mulf %add3A_21, %add3A_21 : vector<1x3840xf32>
    %add3A_28 = arith.addf %mul3A, %mul3A_27 : vector<1x3840xf32>
    %mul3A_29 = arith.mulf %add3A_26, %add3A_26 : vector<1x3840xf32>
    %add3A_30 = arith.addf %add3A_28, %mul3A_29 : vector<1x3840xf32>
    %sqrt3A = math.sqrt %add3A_30 : vector<1x3840xf32>
    %iota3A_31 = tpu.iota {dimensions = array<i32: 0>} : vector<64x3840xi32>
    %convert_element_type3A = arith.sitofp %iota3A_31 : vector<64x3840xi32> to vector<64x3840xf32>
    %mul3A_32 = arith.constant 0.317460328 : f32
    %mul3A_33 = vector.broadcast %mul3A_32 : f32 to vector<64x3840xf32>
    %mul3A_34 = arith.mulf %convert_element_type3A, %mul3A_33 : vector<64x3840xf32>
    %sub3A_35 = vector.broadcast %sqrt3A : vector<1x3840xf32> to vector<64x3840xf32>
    %sub3A_36 = arith.subf %sub3A_35, %mul3A_34 : vector<64x3840xf32>
    %mul3A_37 = arith.constant 3.200000e+00 : f32
    %mul3A_38 = vector.broadcast %mul3A_37 : f32 to vector<64x3840xf32>
    %mul3A_39 = arith.mulf %sub3A_36, %mul3A_38 : vector<64x3840xf32>
    %mul3A_40 = arith.mulf %mul3A_39, %mul3A_39 : vector<64x3840xf32>
    %neg3A = arith.constant 0.000000e+00 : f32
    %neg3A_41 = vector.broadcast %neg3A : f32 to vector<64x3840xf32>
    %neg3A_42 = arith.subf %neg3A_41, %mul3A_40 : vector<64x3840xf32>
    %exp3A = math.exp %neg3A_42 : vector<64x3840xf32>
    %broadcast_in_dim3A_43 = arith.constant 1.000000e+00 : f32
    %broadcast_in_dim3A_44 = vector.broadcast %broadcast_in_dim3A_43 : f32 to vector<1x3840xf32>
    %concatenate3A = tpu.concatenate %exp3A, %broadcast_in_dim3A_44 in 0 : vector<64x3840xf32>, vector<1x3840xf32> -> vector<65x3840xf32>
    %get3A_45 = arith.constant 0 : index
    %get3A_46 = arith.constant 0 : index
    %get3A_47 = vector.load %arg3[%get3A_45, %get3A_46] : memref<4x65xf32, #tpu.memory_space<vmem>>, vector<4x65xf32>
    %dot_general3A_48 = arith.constant dense<0.000000e+00> : vector<4x3840xf32>
    %dot_general3A_49 = tpu.matmul %get3A_47, %concatenate3A, %dot_general3A_48 {dimension_numbers = #tpu.dot_dimension_numbers<[1], [0], [0], [1], [0, 0, 1, 1], [], []>, transpose_lhs_hint = false} : vector<4x65xf32>, vector<65x3840xf32>, vector<4x3840xf32> -> vector<4x3840xf32>
    %slice3A_50 = vector.extract_strided_slice %dot_general3A_5 {offsets = [3, 0], sizes = [4, 3840], strides = [1, 1]} : vector<8x3840xf32> to vector<4x3840xf32>
    %slice3A_51 = vector.extract_strided_slice %dot_general3A_10 {offsets = [3, 0], sizes = [4, 3840], strides = [1, 1]} : vector<8x3840xf32> to vector<4x3840xf32>
    %add3A_52 = arith.addf %slice3A_50, %slice3A_51 : vector<4x3840xf32>
    %logistic3A = arith.negf %add3A_52 : vector<4x3840xf32>
    %logistic3A_53 = math.exp %logistic3A : vector<4x3840xf32>
    %logistic3A_54 = arith.constant 1.000000e+00 : f32
    %logistic3A_55 = vector.broadcast %logistic3A_54 : f32 to vector<4x3840xf32>
    %logistic3A_56 = arith.addf %logistic3A_55, %logistic3A_53 : vector<4x3840xf32>
    %logistic3A_57 = arith.divf %logistic3A_55, %logistic3A_56 : vector<4x3840xf32>
    %mul3A_58 = arith.mulf %logistic3A_57, %dot_general3A_49 : vector<4x3840xf32>
    %swap3A = arith.constant 0 : index
    %swap3A_59 = arith.constant 0 : index
    %swap3A_60 = vector.load %arg5[%swap3A, %swap3A_59] : memref<4x3840xf32, #tpu.memory_space<vmem>>, vector<4x3840xf32>
    tpu.vector_store %arg5[%swap3A, %swap3A_59], %mul3A_58 {strides = array<i32>} : memref<4x3840xf32, #tpu.memory_space<vmem>>, vector<4x3840xf32>,
    return
  }
  func.func @transform_0(%arg0: i32) -> (i32, i32) {
    %c0_i32 = arith.constant 0 : i32
    %c0_i32_0 = arith.constant 0 : i32
    return %arg0, %c0_i32 : i32, i32
  }
  func.func @transform_1(%arg0: i32) -> (i32, i32) {
    %c0_i32 = arith.constant 0 : i32
    %c0_i32_0 = arith.constant 0 : i32
    return %arg0, %c0_i32 : i32, i32
  }
  func.func @transform_2(%arg0: i32) -> (i32, i32) {
    %c0_i32 = arith.constant 0 : i32
    %c0_i32_0 = arith.constant 0 : i32
    %c0_i32_1 = arith.constant 0 : i32
    return %c0_i32, %c0_i32_0 : i32, i32
  }
  func.func @transform_3(%arg0: i32) -> (i32, i32) {
    %c0_i32 = arith.constant 0 : i32
    %c0_i32_0 = arith.constant 0 : i32
    %c0_i32_1 = arith.constant 0 : i32
    return %c0_i32, %c0_i32_0 : i32, i32
  }
  func.func @transform_4(%arg0: i32) -> (i32, i32) {
    %c0_i32 = arith.constant 0 : i32
    %c0_i32_0 = arith.constant 0 : i32
    return %c0_i32, %arg0 : i32, i32
  }
}

module attributes {stable_mosaic.version = 14 : i64} {
  func.func @_main_kernel(%arg0: i32, %arg1: memref<480x128xf32, #tpu.memory_space<vmem>>, %arg2: memref<4x480x20xf32, #tpu.memory_space<vmem>>, %arg3: memref<128x128xf32, #tpu.memory_space<vmem>>, %arg4: memref<128x128xf32, #tpu.memory_space<vmem>>, %arg5: memref<128x128xf32, #tpu.memory_space<vmem>>, %arg6: memref<128x128xf32, #tpu.memory_space<vmem>>, %arg7: memref<1x128xf32, #tpu.memory_space<vmem>>, %arg8: memref<1x128xf32, #tpu.memory_space<vmem>>, %arg9: memref<1x128xf32, #tpu.memory_space<vmem>>, %arg10: memref<1x128xf32, #tpu.memory_space<vmem>>, %arg11: memref<480x128xf32, #tpu.memory_space<vmem>>) attributes {dimension_semantics = [#tpu.dimension_semantics<arbitrary>], iteration_bounds = array<i64: 48>, scalar_prefetch = 0 : i64, scratch_operands = 0 : i64, tpu.core_type = #tpu.core_type<tc>, window_params = [{transform_indices = @transform_0, window_bounds = array<i64: 480, 128>}, {transform_indices = @transform_1, window_bounds = array<i64: 4, 480, 20>}, {pipeline_mode = #tpu.pipeline_mode<synchronous>, transform_indices = @transform_2, window_bounds = array<i64: 128, 128>}, {pipeline_mode = #tpu.pipeline_mode<synchronous>, transform_indices = @transform_3, window_bounds = array<i64: 128, 128>}, {pipeline_mode = #tpu.pipeline_mode<synchronous>, transform_indices = @transform_4, window_bounds = array<i64: 128, 128>}, {pipeline_mode = #tpu.pipeline_mode<synchronous>, transform_indices = @transform_5, window_bounds = array<i64: 128, 128>}, {pipeline_mode = #tpu.pipeline_mode<synchronous>, transform_indices = @transform_6, window_bounds = array<i64: 1, 128>}, {pipeline_mode = #tpu.pipeline_mode<synchronous>, transform_indices = @transform_7, window_bounds = array<i64: 1, 128>}, {pipeline_mode = #tpu.pipeline_mode<synchronous>, transform_indices = @transform_8, window_bounds = array<i64: 1, 128>}, {pipeline_mode = #tpu.pipeline_mode<synchronous>, transform_indices = @transform_9, window_bounds = array<i64: 1, 128>}, {transform_indices = @transform_10, window_bounds = array<i64: 480, 128>}]} {
    %get3A = arith.constant 0 : index
    %get3A_0 = arith.constant 0 : index
    %get3A_1 = vector.load %arg1[%get3A, %get3A_0] : memref<480x128xf32, #tpu.memory_space<vmem>>, vector<480x128xf32>
    %get3A_2 = arith.constant 0 : index
    %get3A_3 = arith.constant 0 : index
    %get3A_4 = vector.load %arg3[%get3A_2, %get3A_3] : memref<128x128xf32, #tpu.memory_space<vmem>>, vector<128x128xf32>
    %dot_general3A = arith.constant dense<0.000000e+00> : vector<480x128xf32>
    %dot_general3A_5 = tpu.matmul %get3A_1, %get3A_4, %dot_general3A {dimension_numbers = #tpu.dot_dimension_numbers<[1], [0], [0], [1], [0, 0, 1, 1], [], []>, transpose_lhs_hint = false} : vector<480x128xf32>, vector<128x128xf32>, vector<480x128xf32> -> vector<480x128xf32>
    %get3A_6 = arith.constant 0 : index
    %get3A_7 = arith.constant 0 : index
    %get3A_8 = vector.load %arg7[%get3A_6, %get3A_7] : memref<1x128xf32, #tpu.memory_space<vmem>>, vector<1x128xf32>
    %add3A = vector.broadcast %get3A_8 : vector<1x128xf32> to vector<480x128xf32>
    %add3A_9 = arith.addf %dot_general3A_5, %add3A : vector<480x128xf32>
    %reshape3A = vector.shape_cast %get3A_1 : vector<480x128xf32> to vector<8x60x128xf32>
    %slice3A = vector.extract_strided_slice %reshape3A {offsets = [0, 0, 0], sizes = [8, 20, 128], strides = [1, 1, 1]} : vector<8x60x128xf32> to vector<8x20x128xf32>
    %reshape3A_10 = vector.shape_cast %slice3A : vector<8x20x128xf32> to vector<160x128xf32>
    %get3A_11 = arith.constant 0 : index
    %get3A_12 = arith.constant 0 : index
    %get3A_13 = vector.load %arg4[%get3A_11, %get3A_12] : memref<128x128xf32, #tpu.memory_space<vmem>>, vector<128x128xf32>
    %dot_general3A_14 = arith.constant dense<0.000000e+00> : vector<160x128xf32>
    %dot_general3A_15 = tpu.matmul %reshape3A_10, %get3A_13, %dot_general3A_14 {dimension_numbers = #tpu.dot_dimension_numbers<[1], [0], [0], [1], [0, 0, 1, 1], [], []>, transpose_lhs_hint = false} : vector<160x128xf32>, vector<128x128xf32>, vector<160x128xf32> -> vector<160x128xf32>
    %get3A_16 = arith.constant 0 : index
    %get3A_17 = arith.constant 0 : index
    %get3A_18 = vector.load %arg8[%get3A_16, %get3A_17] : memref<1x128xf32, #tpu.memory_space<vmem>>, vector<1x128xf32>
    %add3A_19 = vector.broadcast %get3A_18 : vector<1x128xf32> to vector<160x128xf32>
    %add3A_20 = arith.addf %dot_general3A_15, %add3A_19 : vector<160x128xf32>
    %get3A_21 = arith.constant 0 : index
    %get3A_22 = arith.constant 0 : index
    %get3A_23 = vector.load %arg5[%get3A_21, %get3A_22] : memref<128x128xf32, #tpu.memory_space<vmem>>, vector<128x128xf32>
    %dot_general3A_24 = arith.constant dense<0.000000e+00> : vector<160x128xf32>
    %dot_general3A_25 = tpu.matmul %reshape3A_10, %get3A_23, %dot_general3A_24 {dimension_numbers = #tpu.dot_dimension_numbers<[1], [0], [0], [1], [0, 0, 1, 1], [], []>, transpose_lhs_hint = false} : vector<160x128xf32>, vector<128x128xf32>, vector<160x128xf32> -> vector<160x128xf32>
    %get3A_26 = arith.constant 0 : index
    %get3A_27 = arith.constant 0 : index
    %get3A_28 = vector.load %arg9[%get3A_26, %get3A_27] : memref<1x128xf32, #tpu.memory_space<vmem>>, vector<1x128xf32>
    %add3A_29 = vector.broadcast %get3A_28 : vector<1x128xf32> to vector<160x128xf32>
    %add3A_30 = arith.addf %dot_general3A_25, %add3A_29 : vector<160x128xf32>
    %iota3A = tpu.iota {dimensions = array<i32: 0>} : vector<480x160xi32>
    %jit3A = arith.constant 60 : i32
    %div3A = vector.broadcast %jit3A : i32 to vector<480x160xi32>
    %div3A_31 = arith.divsi %iota3A, %div3A : vector<480x160xi32>
    %sign3A = arith.constant 0 : i32
    %sign3A_32 = vector.broadcast %sign3A : i32 to vector<480x160xi32>
    %sign3A_33 = arith.cmpi sgt, %iota3A, %sign3A_32 : vector<480x160xi32>
    %sign3A_34 = arith.extui %sign3A_33 : vector<480x160xi1> to vector<480x160xi32>
    %sign3A_35 = arith.constant 0 : i32
    %sign3A_36 = vector.broadcast %sign3A_35 : i32 to vector<480x160xi32>
    %sign3A_37 = arith.cmpi slt, %iota3A, %sign3A_36 : vector<480x160xi32>
    %sign3A_38 = arith.extui %sign3A_37 : vector<480x160xi1> to vector<480x160xi32>
    %sign3A_39 = arith.subi %sign3A_34, %sign3A_38 : vector<480x160xi32>
    %sign3A_40 = arith.constant 0 : i32
    %sign3A_41 = arith.cmpi sgt, %jit3A, %sign3A_40 : i32
    %sign3A_42 = arith.extui %sign3A_41 : i1 to i32
    %sign3A_43 = arith.constant 0 : i32
    %sign3A_44 = arith.cmpi slt, %jit3A, %sign3A_43 : i32
    %sign3A_45 = arith.extui %sign3A_44 : i1 to i32
    %sign3A_46 = arith.subi %sign3A_42, %sign3A_45 : i32
    %ne3A = vector.broadcast %sign3A_46 : i32 to vector<480x160xi32>
    %ne3A_47 = arith.cmpi ne, %sign3A_39, %ne3A : vector<480x160xi32>
    %rem3A = vector.broadcast %jit3A : i32 to vector<480x160xi32>
    %rem3A_48 = arith.remsi %iota3A, %rem3A : vector<480x160xi32>
    %ne3A_49 = arith.constant 0 : i32
    %ne3A_50 = vector.broadcast %ne3A_49 : i32 to vector<480x160xi32>
    %ne3A_51 = arith.cmpi ne, %rem3A_48, %ne3A_50 : vector<480x160xi32>
    %and3A = arith.andi %ne3A_47, %ne3A_51 : vector<480x160xi1>
    %sub3A = arith.constant 1 : i32
    %sub3A_52 = vector.broadcast %sub3A : i32 to vector<480x160xi32>
    %sub3A_53 = arith.subi %div3A_31, %sub3A_52 : vector<480x160xi32>
    %select_n3A = arith.select %and3A, %sub3A_53, %div3A_31 : vector<480x160xi1>, vector<480x160xi32>
    %iota3A_54 = tpu.iota {dimensions = array<i32: 1>} : vector<480x160xi32>
    %jit3A_55 = arith.constant 20 : i32
    %div3A_56 = vector.broadcast %jit3A_55 : i32 to vector<480x160xi32>
    %div3A_57 = arith.divsi %iota3A_54, %div3A_56 : vector<480x160xi32>
    %sign3A_58 = arith.constant 0 : i32
    %sign3A_59 = vector.broadcast %sign3A_58 : i32 to vector<480x160xi32>
    %sign3A_60 = arith.cmpi sgt, %iota3A_54, %sign3A_59 : vector<480x160xi32>
    %sign3A_61 = arith.extui %sign3A_60 : vector<480x160xi1> to vector<480x160xi32>
    %sign3A_62 = arith.constant 0 : i32
    %sign3A_63 = vector.broadcast %sign3A_62 : i32 to vector<480x160xi32>
    %sign3A_64 = arith.cmpi slt, %iota3A_54, %sign3A_63 : vector<480x160xi32>
    %sign3A_65 = arith.extui %sign3A_64 : vector<480x160xi1> to vector<480x160xi32>
    %sign3A_66 = arith.subi %sign3A_61, %sign3A_65 : vector<480x160xi32>
    %sign3A_67 = arith.constant 0 : i32
    %sign3A_68 = arith.cmpi sgt, %jit3A_55, %sign3A_67 : i32
    %sign3A_69 = arith.extui %sign3A_68 : i1 to i32
    %sign3A_70 = arith.constant 0 : i32
    %sign3A_71 = arith.cmpi slt, %jit3A_55, %sign3A_70 : i32
    %sign3A_72 = arith.extui %sign3A_71 : i1 to i32
    %sign3A_73 = arith.subi %sign3A_69, %sign3A_72 : i32
    %ne3A_74 = vector.broadcast %sign3A_73 : i32 to vector<480x160xi32>
    %ne3A_75 = arith.cmpi ne, %sign3A_66, %ne3A_74 : vector<480x160xi32>
    %rem3A_76 = vector.broadcast %jit3A_55 : i32 to vector<480x160xi32>
    %rem3A_77 = arith.remsi %iota3A_54, %rem3A_76 : vector<480x160xi32>
    %ne3A_78 = arith.constant 0 : i32
    %ne3A_79 = vector.broadcast %ne3A_78 : i32 to vector<480x160xi32>
    %ne3A_80 = arith.cmpi ne, %rem3A_77, %ne3A_79 : vector<480x160xi32>
    %and3A_81 = arith.andi %ne3A_75, %ne3A_80 : vector<480x160xi1>
    %sub3A_82 = arith.constant 1 : i32
    %sub3A_83 = vector.broadcast %sub3A_82 : i32 to vector<480x160xi32>
    %sub3A_84 = arith.subi %div3A_57, %sub3A_83 : vector<480x160xi32>
    %select_n3A_85 = arith.select %and3A_81, %sub3A_84, %div3A_57 : vector<480x160xi1>, vector<480x160xi32>
    %eq3A = arith.cmpi eq, %select_n3A, %select_n3A_85 : vector<480x160xi32>
    %get3A_86 = arith.constant 0 : index
    %get3A_87 = arith.constant 0 : index
    %get3A_88 = arith.constant 0 : index
    %get3A_89 = vector.load %arg2[%get3A_86, %get3A_87, %get3A_88] : memref<4x480x20xf32, #tpu.memory_space<vmem>>, vector<1x480x20xf32>
    %get3A_90 = vector.shape_cast %get3A_89 : vector<1x480x20xf32> to vector<480x20xf32>
    %slice3A_91 = vector.extract_strided_slice %add3A_9 {offsets = [0, 0], sizes = [480, 32], strides = [1, 1]} : vector<480x128xf32> to vector<480x32xf32>
    %slice3A_92 = vector.extract_strided_slice %add3A_20 {offsets = [0, 0], sizes = [160, 32], strides = [1, 1]} : vector<160x128xf32> to vector<160x32xf32>
    %dot_general3A_93 = arith.constant dense<0.000000e+00> : vector<480x160xf32>
    %dot_general3A_94 = tpu.matmul %slice3A_91, %slice3A_92, %dot_general3A_93 {dimension_numbers = #tpu.dot_dimension_numbers<[1], [1], [0], [0], [0, 0, 1, 0], [], []>, transpose_lhs_hint = false} : vector<480x32xf32>, vector<160x32xf32>, vector<480x160xf32> -> vector<480x160xf32>
    %mul3A = arith.constant 0.0883883461 : f32
    %mul3A_95 = vector.broadcast %mul3A : f32 to vector<480x160xf32>
    %mul3A_96 = arith.mulf %dot_general3A_94, %mul3A_95 : vector<480x160xf32>
    %concatenate3A = tpu.concatenate %get3A_90, %get3A_90, %get3A_90, %get3A_90, %get3A_90, %get3A_90, %get3A_90, %get3A_90 in 1 : vector<480x20xf32>, vector<480x20xf32>, vector<480x20xf32>, vector<480x20xf32>, vector<480x20xf32>, vector<480x20xf32>, vector<480x20xf32>, vector<480x20xf32> -> vector<480x160xf32>
    %add3A_97 = arith.addf %mul3A_96, %concatenate3A : vector<480x160xf32>
    %jit3A_98 = arith.constant -1.000000e+30 : f32
    %broadcast_in_dim3A = vector.broadcast %jit3A_98 : f32 to vector<480x160xf32>
    %select_n3A_99 = arith.select %eq3A, %add3A_97, %broadcast_in_dim3A : vector<480x160xi1>, vector<480x160xf32>
    %reduce_max3A = arith.constant dense<0xFF800000> : vector<480xf32>
    %reduce_max3A_100 = vector.multi_reduction <maximumf>, %select_n3A_99, %reduce_max3A [1] : vector<480x160xf32> to vector<480xf32>
    %broadcast_in_dim3A_101 = vector.shape_cast %reduce_max3A_100 : vector<480xf32> to vector<480x1xf32>
    %sub3A_102 = vector.broadcast %broadcast_in_dim3A_101 : vector<480x1xf32> to vector<480x160xf32>
    %sub3A_103 = arith.subf %select_n3A_99, %sub3A_102 : vector<480x160xf32>
    %exp3A = math.exp %sub3A_103 : vector<480x160xf32>
    %reduce_sum3A = arith.constant dense<0.000000e+00> : vector<480xf32>
    %reduce_sum3A_104 = vector.multi_reduction <add>, %exp3A, %reduce_sum3A [1] : vector<480x160xf32> to vector<480xf32>
    %broadcast_in_dim3A_105 = vector.shape_cast %reduce_sum3A_104 : vector<480xf32> to vector<480x1xf32>
    %div3A_106 = vector.broadcast %broadcast_in_dim3A_105 : vector<480x1xf32> to vector<480x160xf32>
    %div3A_107 = arith.divf %exp3A, %div3A_106 : vector<480x160xf32>
    %slice3A_108 = vector.extract_strided_slice %add3A_30 {offsets = [0, 0], sizes = [160, 32], strides = [1, 1]} : vector<160x128xf32> to vector<160x32xf32>
    %dot_general3A_109 = arith.constant dense<0.000000e+00> : vector<480x32xf32>
    %dot_general3A_110 = tpu.matmul %div3A_107, %slice3A_108, %dot_general3A_109 {dimension_numbers = #tpu.dot_dimension_numbers<[1], [0], [0], [1], [0, 0, 1, 1], [], []>, transpose_lhs_hint = false} : vector<480x160xf32>, vector<160x32xf32>, vector<480x32xf32> -> vector<480x32xf32>
    %get3A_111 = arith.constant 1 : index
    %get3A_112 = arith.constant 0 : index
    %get3A_113 = arith.constant 0 : index
    %get3A_114 = vector.load %arg2[%get3A_111, %get3A_112, %get3A_113] : memref<4x480x20xf32, #tpu.memory_space<vmem>>, vector<1x480x20xf32>
    %get3A_115 = vector.shape_cast %get3A_114 : vector<1x480x20xf32> to vector<480x20xf32>
    %slice3A_116 = vector.extract_strided_slice %add3A_9 {offsets = [0, 32], sizes = [480, 32], strides = [1, 1]} : vector<480x128xf32> to vector<480x32xf32>
    %slice3A_117 = vector.extract_strided_slice %add3A_20 {offsets = [0, 32], sizes = [160, 32], strides = [1, 1]} : vector<160x128xf32> to vector<160x32xf32>
    %dot_general3A_118 = arith.constant dense<0.000000e+00> : vector<480x160xf32>
    %dot_general3A_119 = tpu.matmul %slice3A_116, %slice3A_117, %dot_general3A_118 {dimension_numbers = #tpu.dot_dimension_numbers<[1], [1], [0], [0], [0, 0, 1, 0], [], []>, transpose_lhs_hint = false} : vector<480x32xf32>, vector<160x32xf32>, vector<480x160xf32> -> vector<480x160xf32>
    %mul3A_120 = arith.constant 0.0883883461 : f32
    %mul3A_121 = vector.broadcast %mul3A_120 : f32 to vector<480x160xf32>
    %mul3A_122 = arith.mulf %dot_general3A_119, %mul3A_121 : vector<480x160xf32>
    %concatenate3A_123 = tpu.concatenate %get3A_115, %get3A_115, %get3A_115, %get3A_115, %get3A_115, %get3A_115, %get3A_115, %get3A_115 in 1 : vector<480x20xf32>, vector<480x20xf32>, vector<480x20xf32>, vector<480x20xf32>, vector<480x20xf32>, vector<480x20xf32>, vector<480x20xf32>, vector<480x20xf32> -> vector<480x160xf32>
    %add3A_124 = arith.addf %mul3A_122, %concatenate3A_123 : vector<480x160xf32>
    %jit3A_125 = arith.constant -1.000000e+30 : f32
    %broadcast_in_dim3A_126 = vector.broadcast %jit3A_125 : f32 to vector<480x160xf32>
    %select_n3A_127 = arith.select %eq3A, %add3A_124, %broadcast_in_dim3A_126 : vector<480x160xi1>, vector<480x160xf32>
    %reduce_max3A_128 = arith.constant dense<0xFF800000> : vector<480xf32>
    %reduce_max3A_129 = vector.multi_reduction <maximumf>, %select_n3A_127, %reduce_max3A_128 [1] : vector<480x160xf32> to vector<480xf32>
    %broadcast_in_dim3A_130 = vector.shape_cast %reduce_max3A_129 : vector<480xf32> to vector<480x1xf32>
    %sub3A_131 = vector.broadcast %broadcast_in_dim3A_130 : vector<480x1xf32> to vector<480x160xf32>
    %sub3A_132 = arith.subf %select_n3A_127, %sub3A_131 : vector<480x160xf32>
    %exp3A_133 = math.exp %sub3A_132 : vector<480x160xf32>
    %reduce_sum3A_134 = arith.constant dense<0.000000e+00> : vector<480xf32>
    %reduce_sum3A_135 = vector.multi_reduction <add>, %exp3A_133, %reduce_sum3A_134 [1] : vector<480x160xf32> to vector<480xf32>
    %broadcast_in_dim3A_136 = vector.shape_cast %reduce_sum3A_135 : vector<480xf32> to vector<480x1xf32>
    %div3A_137 = vector.broadcast %broadcast_in_dim3A_136 : vector<480x1xf32> to vector<480x160xf32>
    %div3A_138 = arith.divf %exp3A_133, %div3A_137 : vector<480x160xf32>
    %slice3A_139 = vector.extract_strided_slice %add3A_30 {offsets = [0, 32], sizes = [160, 32], strides = [1, 1]} : vector<160x128xf32> to vector<160x32xf32>
    %dot_general3A_140 = arith.constant dense<0.000000e+00> : vector<480x32xf32>
    %dot_general3A_141 = tpu.matmul %div3A_138, %slice3A_139, %dot_general3A_140 {dimension_numbers = #tpu.dot_dimension_numbers<[1], [0], [0], [1], [0, 0, 1, 1], [], []>, transpose_lhs_hint = false} : vector<480x160xf32>, vector<160x32xf32>, vector<480x32xf32> -> vector<480x32xf32>
    %get3A_142 = arith.constant 2 : index
    %get3A_143 = arith.constant 0 : index
    %get3A_144 = arith.constant 0 : index
    %get3A_145 = vector.load %arg2[%get3A_142, %get3A_143, %get3A_144] : memref<4x480x20xf32, #tpu.memory_space<vmem>>, vector<1x480x20xf32>
    %get3A_146 = vector.shape_cast %get3A_145 : vector<1x480x20xf32> to vector<480x20xf32>
    %slice3A_147 = vector.extract_strided_slice %add3A_9 {offsets = [0, 64], sizes = [480, 32], strides = [1, 1]} : vector<480x128xf32> to vector<480x32xf32>
    %slice3A_148 = vector.extract_strided_slice %add3A_20 {offsets = [0, 64], sizes = [160, 32], strides = [1, 1]} : vector<160x128xf32> to vector<160x32xf32>
    %dot_general3A_149 = arith.constant dense<0.000000e+00> : vector<480x160xf32>
    %dot_general3A_150 = tpu.matmul %slice3A_147, %slice3A_148, %dot_general3A_149 {dimension_numbers = #tpu.dot_dimension_numbers<[1], [1], [0], [0], [0, 0, 1, 0], [], []>, transpose_lhs_hint = false} : vector<480x32xf32>, vector<160x32xf32>, vector<480x160xf32> -> vector<480x160xf32>
    %mul3A_151 = arith.constant 0.0883883461 : f32
    %mul3A_152 = vector.broadcast %mul3A_151 : f32 to vector<480x160xf32>
    %mul3A_153 = arith.mulf %dot_general3A_150, %mul3A_152 : vector<480x160xf32>
    %concatenate3A_154 = tpu.concatenate %get3A_146, %get3A_146, %get3A_146, %get3A_146, %get3A_146, %get3A_146, %get3A_146, %get3A_146 in 1 : vector<480x20xf32>, vector<480x20xf32>, vector<480x20xf32>, vector<480x20xf32>, vector<480x20xf32>, vector<480x20xf32>, vector<480x20xf32>, vector<480x20xf32> -> vector<480x160xf32>
    %add3A_155 = arith.addf %mul3A_153, %concatenate3A_154 : vector<480x160xf32>
    %jit3A_156 = arith.constant -1.000000e+30 : f32
    %broadcast_in_dim3A_157 = vector.broadcast %jit3A_156 : f32 to vector<480x160xf32>
    %select_n3A_158 = arith.select %eq3A, %add3A_155, %broadcast_in_dim3A_157 : vector<480x160xi1>, vector<480x160xf32>
    %reduce_max3A_159 = arith.constant dense<0xFF800000> : vector<480xf32>
    %reduce_max3A_160 = vector.multi_reduction <maximumf>, %select_n3A_158, %reduce_max3A_159 [1] : vector<480x160xf32> to vector<480xf32>
    %broadcast_in_dim3A_161 = vector.shape_cast %reduce_max3A_160 : vector<480xf32> to vector<480x1xf32>
    %sub3A_162 = vector.broadcast %broadcast_in_dim3A_161 : vector<480x1xf32> to vector<480x160xf32>
    %sub3A_163 = arith.subf %select_n3A_158, %sub3A_162 : vector<480x160xf32>
    %exp3A_164 = math.exp %sub3A_163 : vector<480x160xf32>
    %reduce_sum3A_165 = arith.constant dense<0.000000e+00> : vector<480xf32>
    %reduce_sum3A_166 = vector.multi_reduction <add>, %exp3A_164, %reduce_sum3A_165 [1] : vector<480x160xf32> to vector<480xf32>
    %broadcast_in_dim3A_167 = vector.shape_cast %reduce_sum3A_166 : vector<480xf32> to vector<480x1xf32>
    %div3A_168 = vector.broadcast %broadcast_in_dim3A_167 : vector<480x1xf32> to vector<480x160xf32>
    %div3A_169 = arith.divf %exp3A_164, %div3A_168 : vector<480x160xf32>
    %slice3A_170 = vector.extract_strided_slice %add3A_30 {offsets = [0, 64], sizes = [160, 32], strides = [1, 1]} : vector<160x128xf32> to vector<160x32xf32>
    %dot_general3A_171 = arith.constant dense<0.000000e+00> : vector<480x32xf32>
    %dot_general3A_172 = tpu.matmul %div3A_169, %slice3A_170, %dot_general3A_171 {dimension_numbers = #tpu.dot_dimension_numbers<[1], [0], [0], [1], [0, 0, 1, 1], [], []>, transpose_lhs_hint = false} : vector<480x160xf32>, vector<160x32xf32>, vector<480x32xf32> -> vector<480x32xf32>
    %get3A_173 = arith.constant 3 : index
    %get3A_174 = arith.constant 0 : index
    %get3A_175 = arith.constant 0 : index
    %get3A_176 = vector.load %arg2[%get3A_173, %get3A_174, %get3A_175] : memref<4x480x20xf32, #tpu.memory_space<vmem>>, vector<1x480x20xf32>
    %get3A_177 = vector.shape_cast %get3A_176 : vector<1x480x20xf32> to vector<480x20xf32>
    %slice3A_178 = vector.extract_strided_slice %add3A_9 {offsets = [0, 96], sizes = [480, 32], strides = [1, 1]} : vector<480x128xf32> to vector<480x32xf32>
    %slice3A_179 = vector.extract_strided_slice %add3A_20 {offsets = [0, 96], sizes = [160, 32], strides = [1, 1]} : vector<160x128xf32> to vector<160x32xf32>
    %dot_general3A_180 = arith.constant dense<0.000000e+00> : vector<480x160xf32>
    %dot_general3A_181 = tpu.matmul %slice3A_178, %slice3A_179, %dot_general3A_180 {dimension_numbers = #tpu.dot_dimension_numbers<[1], [1], [0], [0], [0, 0, 1, 0], [], []>, transpose_lhs_hint = false} : vector<480x32xf32>, vector<160x32xf32>, vector<480x160xf32> -> vector<480x160xf32>
    %mul3A_182 = arith.constant 0.0883883461 : f32
    %mul3A_183 = vector.broadcast %mul3A_182 : f32 to vector<480x160xf32>
    %mul3A_184 = arith.mulf %dot_general3A_181, %mul3A_183 : vector<480x160xf32>
    %concatenate3A_185 = tpu.concatenate %get3A_177, %get3A_177, %get3A_177, %get3A_177, %get3A_177, %get3A_177, %get3A_177, %get3A_177 in 1 : vector<480x20xf32>, vector<480x20xf32>, vector<480x20xf32>, vector<480x20xf32>, vector<480x20xf32>, vector<480x20xf32>, vector<480x20xf32>, vector<480x20xf32> -> vector<480x160xf32>
    %add3A_186 = arith.addf %mul3A_184, %concatenate3A_185 : vector<480x160xf32>
    %jit3A_187 = arith.constant -1.000000e+30 : f32
    %broadcast_in_dim3A_188 = vector.broadcast %jit3A_187 : f32 to vector<480x160xf32>
    %select_n3A_189 = arith.select %eq3A, %add3A_186, %broadcast_in_dim3A_188 : vector<480x160xi1>, vector<480x160xf32>
    %reduce_max3A_190 = arith.constant dense<0xFF800000> : vector<480xf32>
    %reduce_max3A_191 = vector.multi_reduction <maximumf>, %select_n3A_189, %reduce_max3A_190 [1] : vector<480x160xf32> to vector<480xf32>
    %broadcast_in_dim3A_192 = vector.shape_cast %reduce_max3A_191 : vector<480xf32> to vector<480x1xf32>
    %sub3A_193 = vector.broadcast %broadcast_in_dim3A_192 : vector<480x1xf32> to vector<480x160xf32>
    %sub3A_194 = arith.subf %select_n3A_189, %sub3A_193 : vector<480x160xf32>
    %exp3A_195 = math.exp %sub3A_194 : vector<480x160xf32>
    %reduce_sum3A_196 = arith.constant dense<0.000000e+00> : vector<480xf32>
    %reduce_sum3A_197 = vector.multi_reduction <add>, %exp3A_195, %reduce_sum3A_196 [1] : vector<480x160xf32> to vector<480xf32>
    %broadcast_in_dim3A_198 = vector.shape_cast %reduce_sum3A_197 : vector<480xf32> to vector<480x1xf32>
    %div3A_199 = vector.broadcast %broadcast_in_dim3A_198 : vector<480x1xf32> to vector<480x160xf32>
    %div3A_200 = arith.divf %exp3A_195, %div3A_199 : vector<480x160xf32>
    %slice3A_201 = vector.extract_strided_slice %add3A_30 {offsets = [0, 96], sizes = [160, 32], strides = [1, 1]} : vector<160x128xf32> to vector<160x32xf32>
    %dot_general3A_202 = arith.constant dense<0.000000e+00> : vector<480x32xf32>
    %dot_general3A_203 = tpu.matmul %div3A_200, %slice3A_201, %dot_general3A_202 {dimension_numbers = #tpu.dot_dimension_numbers<[1], [0], [0], [1], [0, 0, 1, 1], [], []>, transpose_lhs_hint = false} : vector<480x160xf32>, vector<160x32xf32>, vector<480x32xf32> -> vector<480x32xf32>
    %concatenate3A_204 = tpu.concatenate %dot_general3A_110, %dot_general3A_141, %dot_general3A_172, %dot_general3A_203 in 1 : vector<480x32xf32>, vector<480x32xf32>, vector<480x32xf32>, vector<480x32xf32> -> vector<480x128xf32>
    %get3A_205 = arith.constant 0 : index
    %get3A_206 = arith.constant 0 : index
    %get3A_207 = vector.load %arg6[%get3A_205, %get3A_206] : memref<128x128xf32, #tpu.memory_space<vmem>>, vector<128x128xf32>
    %dot_general3A_208 = arith.constant dense<0.000000e+00> : vector<480x128xf32>
    %dot_general3A_209 = tpu.matmul %concatenate3A_204, %get3A_207, %dot_general3A_208 {dimension_numbers = #tpu.dot_dimension_numbers<[1], [0], [0], [1], [0, 0, 1, 1], [], []>, transpose_lhs_hint = false} : vector<480x128xf32>, vector<128x128xf32>, vector<480x128xf32> -> vector<480x128xf32>
    %get3A_210 = arith.constant 0 : index
    %get3A_211 = arith.constant 0 : index
    %get3A_212 = vector.load %arg10[%get3A_210, %get3A_211] : memref<1x128xf32, #tpu.memory_space<vmem>>, vector<1x128xf32>
    %add3A_213 = vector.broadcast %get3A_212 : vector<1x128xf32> to vector<480x128xf32>
    %add3A_214 = arith.addf %dot_general3A_209, %add3A_213 : vector<480x128xf32>
    %swap3A = arith.constant 0 : index
    %swap3A_215 = arith.constant 0 : index
    %swap3A_216 = vector.load %arg11[%swap3A, %swap3A_215] : memref<480x128xf32, #tpu.memory_space<vmem>>, vector<480x128xf32>
    tpu.vector_store %arg11[%swap3A, %swap3A_215], %add3A_214 {strides = array<i32>} : memref<480x128xf32, #tpu.memory_space<vmem>>, vector<480x128xf32>,
    return
  }
  func.func @transform_0(%arg0: i32) -> (i32, i32) {
    %c0_i32 = arith.constant 0 : i32
    %c0_i32_0 = arith.constant 0 : i32
    return %arg0, %c0_i32 : i32, i32
  }
  func.func @transform_1(%arg0: i32) -> (i32, i32, i32) {
    %c0_i32 = arith.constant 0 : i32
    %c0_i32_0 = arith.constant 0 : i32
    %c0_i32_1 = arith.constant 0 : i32
    return %c0_i32, %arg0, %c0_i32_0 : i32, i32, i32
  }
  func.func @transform_2(%arg0: i32) -> (i32, i32) {
    %c0_i32 = arith.constant 0 : i32
    %c0_i32_0 = arith.constant 0 : i32
    %c0_i32_1 = arith.constant 0 : i32
    return %c0_i32, %c0_i32_0 : i32, i32
  }
  func.func @transform_3(%arg0: i32) -> (i32, i32) {
    %c0_i32 = arith.constant 0 : i32
    %c0_i32_0 = arith.constant 0 : i32
    %c0_i32_1 = arith.constant 0 : i32
    return %c0_i32, %c0_i32_0 : i32, i32
  }
  func.func @transform_4(%arg0: i32) -> (i32, i32) {
    %c0_i32 = arith.constant 0 : i32
    %c0_i32_0 = arith.constant 0 : i32
    %c0_i32_1 = arith.constant 0 : i32
    return %c0_i32, %c0_i32_0 : i32, i32
  }
  func.func @transform_5(%arg0: i32) -> (i32, i32) {
    %c0_i32 = arith.constant 0 : i32
    %c0_i32_0 = arith.constant 0 : i32
    %c0_i32_1 = arith.constant 0 : i32
    return %c0_i32, %c0_i32_0 : i32, i32
  }
  func.func @transform_6(%arg0: i32) -> (i32, i32) {
    %c0_i32 = arith.constant 0 : i32
    %c0_i32_0 = arith.constant 0 : i32
    %c0_i32_1 = arith.constant 0 : i32
    return %c0_i32, %c0_i32_0 : i32, i32
  }
  func.func @transform_7(%arg0: i32) -> (i32, i32) {
    %c0_i32 = arith.constant 0 : i32
    %c0_i32_0 = arith.constant 0 : i32
    %c0_i32_1 = arith.constant 0 : i32
    return %c0_i32, %c0_i32_0 : i32, i32
  }
  func.func @transform_8(%arg0: i32) -> (i32, i32) {
    %c0_i32 = arith.constant 0 : i32
    %c0_i32_0 = arith.constant 0 : i32
    %c0_i32_1 = arith.constant 0 : i32
    return %c0_i32, %c0_i32_0 : i32, i32
  }
  func.func @transform_9(%arg0: i32) -> (i32, i32) {
    %c0_i32 = arith.constant 0 : i32
    %c0_i32_0 = arith.constant 0 : i32
    %c0_i32_1 = arith.constant 0 : i32
    return %c0_i32, %c0_i32_0 : i32, i32
  }
  func.func @transform_10(%arg0: i32) -> (i32, i32) {
    %c0_i32 = arith.constant 0 : i32
    %c0_i32_0 = arith.constant 0 : i32
    return %arg0, %c0_i32 : i32, i32
  }
}

</mosaic_0001>

<sc_bundles>
// kernel: kernel.11.cloned.1.call-start
scs
__scs_entry_jumppad:
0x0: {  	(pc) =	sbr.rel $0x88, $3  }
0x1: {  	(tag) =	ssettag $0x0;
	lr =	simm.s32 $0x1  }
0x2: {  	[smem:$0x3F92] =	sst lr;
	_ =	strace $0xD0000000  }
0x3: {  	_ = 	snop  }
0x4: {  	_ = 	snop  }
0x5: {  	_ = 	snop  }
0x6: {  	_ = 	snop  }
0x7: {  	_ = 	snop  }
__scs_overlays_trampoline_lowered:
0x8: {  	[smem:$0x3FA1] =	sst s0  }
0x9: {  	[smem:$0x3FA2] =	sst s1  }
0xa: {  	[smem:$0x3FA3] =	sst s2  }
0xb: {  	[smem:$0x3FA4] =	sst s3  }
0xc: {  	[smem:$0x3FA5] =	sst s4  }
0xd: {  	[smem:$0x3FA6] =	sst s5  }
0xe: {  	[smem:$0x3FA7] =	sst s6  }
0xf: {  	[smem:$0x3FA8] =	sst s7  }
0x10: {  	[smem:$0x3FA9] =	sst s8  }
0x11: {  	[smem:$0x3FAA] =	sst s9;
	s0 =	simm.s32 @!p0 $0x0  }
0x12: {  	s1 =	sld [smem:$0x3F90];
	s0 =	simm.s32 @p0 $0x1  }
0x13: {  	[smem:$0x3FAB] =	sst s0;
	s0 =	simm.s32 @!p1 $0x0  }
0x14: {  	s2 =	sld [smem:$0x3F8F];
	s0 =	simm.s32 @p1 $0x1  }
0x15: {  	[smem:$0x3FAC] =	sst s0;
	s0 =	simm.s32 @!p2 $0x0  }
0x16: {  	s3 =	sld [smem:$0x3FDB];
	s0 =	simm.s32 @p2 $0x1  }
0x17: {  	s4 =	simm.s32 $0x1BF5;
	[smem:$0x3FAE] =	sst s0  }
0x18: {  	s0 =	sld [smem:$0x3F91];
	_ =	swait.ge [sflag:s4], $0x0  }
0x19: {  	s7 =	sld [smem:$0x3F92]  }
0x1a: {  	s8 =	sadd.s32 $0xFFFFE003, lr  }
0x1b: {  	s9 =	sadd.s32 $0xFFFFFEF7, lr;
	s5 =	simm.s32 $0xFFFFFFFF;
	p2 =	slt.u32 s8, $0xFFFFF086  }
0x1c: {  	p1 =	slt.u32 s9, $0xF7A;
	s5 =	simm.s32 @!p2 $0x0  }
0x1d: {  	s5 =	simm.s32 @p1 $0x1;
	p0 =	seq.s32 s7, s2  }
0x1e: {  	s7 =	smul.u32 @!p0 $0xF7A, s2;
	p2 =	seq.s32 @!p0 s5, $0x0  }
0x1f: {  	s9 =	smul.u32 $0xF7A, s1;
	s8 =	simm.s32 @!p0 $0x1BF5;
	p2 =	por !p2, p0  }
0x20: {  	[sflag:s8] =	ssyncset.s32 @!p0 $0xFFFFF086;
	s6 =	sadd.s32 @!p0 s3, s7;
	s7 =	simm.s32 @!p0 $0x108  }
0x21: {  	s3 =	sadd.s32 s3, s9;
	s6 =	sadd.s32 @!p0 $0x88, s6;
	s7 =	simm.s32 @p2 $0x1082  }
0x22: {  	[simem:s7], [sflag:s8] =	dma.local @!p0 [hbm:s6], $0xF7A  }
0x23: {  	s9 =	sor.u32 $0xD0000000, s2;
	s6 =	simm.s32 $0x108;
	_ =	swait.ge @!p0 [sflag:s8], $0x0  }
0x24: {  	s3 =	sadd.s32 $0x88, s3;
	s6 =	simm.s32 @!p1 $0x1082;
	[sflag:s4] =	ssyncset.s32 $0xFFFFF086  }
0x25: {  	[simem:s6], [sflag:s4] =	dma.local [hbm:s3], $0xF7A  }
0x26: {  	[smem:$0x3F92] =	sst s1;
	(tag) =	ssettag s2;
	_ =	strace s9  }
0x27: {  	s1 =	sld [smem:$0x3FA2]  }
0x28: {  	s2 =	sld [smem:$0x3FA3]  }
0x29: {  	s4 =	sld [smem:$0x3FA5]  }
0x2a: {  	p0 =	seq.s32 s5, $0x0;
	s5 =	sld [smem:$0x3FA6]  }
0x2b: {  	s6 =	sld [smem:$0x3FA7]  }
0x2c: {  	s7 =	sld [smem:$0x3FA8]  }
0x2d: {  	s3 =	simm.s32 $0x108;
	s8 =	sld [smem:$0x3FA9]  }
0x2e: {  	s3 =	simm.s32 @!p0 $0x1082;
	s9 =	sld [smem:$0x3FAA]  }
0x2f: {  	lr =	sadd.s32 s0, s3;
	s0 =	sld [smem:$0x3FA1]  }
0x30: {  	s3 =	sld [smem:$0x3FA4]  }
0x31: {  	[smem:$0x3FAD] =	sst s10  }
0x32: {  	s10 =	sld [smem:$0x3FAB];
	_ =	sdelay $0x3  }
0x33: {  	p0 =	seq.s32 s10, $0x1;
	s10 =	sld [smem:$0x3FAD];
	_ =	sdelay $0x3  }
0x34: {  	[smem:$0x3FAD] =	sst s10  }
0x35: {  	s10 =	sld [smem:$0x3FAC];
	_ =	sdelay $0x3  }
0x36: {  	p1 =	seq.s32 s10, $0x1;
	s10 =	sld [smem:$0x3FAD];
	_ =	sdelay $0x3  }
0x37: {  	[smem:$0x3FAD] =	sst s10  }
0x38: {  	s10 =	sld [smem:$0x3FAE]  }
0x39: {  	_ = 	snop;
	(pc) =	sbr.ind lr, $3  }
0x3a: {  	_ = 	snop  }
0x3b: {  	_ = 	snop  }
0x3c: {  	p2 =	seq.s32 s10, $0x1;
	s10 =	sld [smem:$0x3FAD]  }
0x3d: {  	_ =	shalt  }
0x3e: {  	_ =	shalt  }
0x3f: {  	_ =	shalt  }
0x40: {  	_ =	shalt  }
0x41: {  	_ =	shalt  }
0x42: {  	_ =	shalt  }
0x43: {  	_ =	shalt  }
0x44: {  	_ =	shalt  }
0x45: {  	_ =	shalt  }
0x46: {  	_ =	shalt  }
0x47: {  	_ =	shalt  }
0x48: {  	_ =	shalt  }
0x49: {  	_ =	shalt  }
0x4a: {  	_ =	shalt  }
0x4b: {  	_ =	shalt  }
0x4c: {  	_ =	shalt  }
0x4d: {  	_ =	shalt  }
0x4e: {  	_ =	shalt  }
0x4f: {  	_ =	shalt  }
0x50: {  	_ =	shalt  }
0x51: {  	_ =	shalt  }
0x52: {  	_ =	shalt  }
0x53: {  	_ =	shalt  }
0x54: {  	_ =	shalt  }
0x55: {  	_ =	shalt  }
0x56: {  	_ =	shalt  }
0x57: {  	_ =	shalt  }
0x58: {  	_ =	shalt  }
0x59: {  	_ =	shalt  }
0x5a: {  	_ =	shalt  }
0x5b: {  	_ =	shalt  }
0x5c: {  	_ =	shalt  }
0x5d: {  	_ =	shalt  }
0x5e: {  	_ =	shalt  }
0x5f: {  	_ =	shalt  }
0x60: {  	_ =	shalt  }
0x61: {  	_ =	shalt  }
0x62: {  	_ =	shalt  }
0x63: {  	_ =	shalt  }
0x64: {  	_ =	shalt  }
0x65: {  	_ =	shalt  }
0x66: {  	_ =	shalt  }
0x67: {  	_ =	shalt  }
0x68: {  	_ =	shalt  }
0x69: {  	_ =	shalt  }
0x6a: {  	_ =	shalt  }
0x6b: {  	_ =	shalt  }
0x6c: {  	_ =	shalt  }
0x6d: {  	_ =	shalt  }
0x6e: {  	_ =	shalt  }
0x6f: {  	_ =	shalt  }
0x70: {  	_ =	shalt  }
0x71: {  	_ =	shalt  }
0x72: {  	_ =	shalt  }
0x73: {  	_ =	shalt  }
0x74: {  	_ =	shalt  }
0x75: {  	_ =	shalt  }
0x76: {  	_ =	shalt  }
0x77: {  	_ =	shalt  }
0x78: {  	_ =	shalt  }
0x79: {  	_ =	shalt  }
0x7a: {  	_ =	shalt  }
0x7b: {  	_ =	shalt  }
0x7c: {  	_ =	shalt  }
0x7d: {  	_ =	shalt  }
0x7e: {  	_ =	shalt  }
0x7f: {  	_ =	shalt  }
0x80: {  	_ =	shalt  }
0x81: {  	_ =	shalt  }
0x82: {  	_ =	shalt  }
0x83: {  	_ =	shalt  }
0x84: {  	_ =	shalt  }
0x85: {  	_ =	shalt  }
0x86: {  	_ =	shalt  }
0x87: {  	_ =	shalt  }
.Lfunc_end0:
.L_simem_size_0:
called_computation.1_lowered:
.L_overlay_start_0:
0x88: {  	s2 =	sld [smem:$0x3FD9]  }
0x89: {  	s3 =	sld [smem:$0x3FFE];
	_ =	sdelay $0x1  }
0x8a: {  	s1 =	srdreg.scid  }
0x8b: {  	s0 =	sand.u32 $0x1, s1  }
0x8c: {  	s17 =	sshll.u32 s0, $0xA;
	s2 =	sadd.s32 s3, s2  }
0x8d: {  	s2 =	sadd.s32 s2, s17  }
0x8e: {  	[smem:$0x3FB9] =	sst s2  }
0x8f: {  	_ = 	snop  }
0x90: {  	s18 =	sld [smem:$0x3FD0];
	(tm) =	ssettm $0x1  }
0x91: {  	s19 =	sld [smem:$0x3FFB];
	_ =	sdelay $0x3  }
0x92: {  	_ =	strace s19  }
0x93: {  	s2 =	sld [smem:$0x3FFC];
	_ =	sdelay $0x3  }
0x94: {  	_ =	strace s2  }
0x95: {  	s2 =	sld [smem:$0x3FFD];
	_ =	sdelay $0x3  }
0x96: {  	_ =	strace s2  }
0x97: {  	_ =	strace $0x8FFFFFFF  }
0x98: {  	s20 =	sld [smem:$0x3FDB];
	_ =	sdelay $0x1  }
0x99: {  	s4 =	simm.s32 $_scs_section_size  }
0x9a: {  	s5 =	simm.s32 $_size__tile_overlayer_lowered;
	s6 =	simm.s32 $_tile_overlayer_lowered  }
0x9b: {  	s7 =	simm.s32 $0x1BFF;
	s21 =	sshll.u32 s6, $0x1;
	s4 =	sadd.s32 s4, s20  }
0x9c: {  	s22 =	simm.s32 $0x0;
	s5 =	sshll.u32 s5, $0x1;
	s6 =	sadd.s32 s21, s4  }
0x9d: {  	[timem:s22], [sflag:s7] =	dma.local [hbm:s6], s5  }
0x9e: {  	_ =	swait.ge [sflag:s7], s5  }
0x9f: {  	s5 =	ssub.s32 $0x0, s5;
	[sflag:s7] =	ssyncset.done $0x0  }
0xa0: {  	[sflag:s7] =	ssyncadd.s32 s5;
	_ =	sdelay $0x1  }
0xa1: {  	s23 =	simm.s32 $0x1B8B  }
0xa2: {  	_ =	swait.ge [sflag:s23], $0x1  }
0xa3: {  	[sflag:s23] =	ssyncset.done $0x0  }
0xa4: {  	[sflag:s23] =	ssyncadd.s32 $0xFFFFFFFF  }
0xa5: {  	s5 =	sld [smem:$0x0]  }
0xa6: {  	s6 =	sand.u32 $0xFFFFFFFE, s1  }
0xa7: {  	p0 =	sne.s32 s1, s6  }
0xa8: {  	s6 =	sshll.u32 @p0 s6, $0xE  }
0xa9: {  	s6 =	sadd.s32 @p0 $0x11B8D, s6;
	s7 =	sshll.u32 @p0 s5, $0x11  }
0xaa: {  	s6 =	sor.u32 @p0 s7, s6  }
0xab: {  	[sflag:s6] =	ssyncadd.remote.s32 @p0 $0x1;
	_ =	sdelay $0x1  }
0xac: {  	s6 =	simm.s32 @p0 $0x1B8D  }
0xad: {  	_ =	swait.eq @p0 [sflag:s6], $0x1  }
0xae: {  	[sflag:s6] =	ssyncadd.s32 @p0 $0xFFFFFFFF  }
0xaf: {  	s7 =	sshll.u32 @!p0 s1, $0xE  }
0xb0: {  	s7 =	sor.u32 @!p0 $0x4000, s7;
	s6 =	simm.s32 @!p0 $0x1B8D  }
0xb1: {  	s5 =	sshll.u32 @!p0 s5, $0x11;
	s7 =	sadd.s32 @!p0 $0x11B8D, s7;
	_ =	swait.eq @!p0 [sflag:s6], $0x1  }
0xb2: {  	s5 =	sor.u32 @!p0 s5, s7;
	[sflag:s6] =	ssyncadd.s32 @!p0 $0xFFFFFFFF  }
0xb3: {  	s25 =	simm.s32 $0x1B8E;
	s24 =	sld [smem:$0x3FFE];
	[sflag:s5] =	ssyncadd.remote.s32 @!p0 $0x1  }
0xb4: {  	s26 =	simm.s32 $execute0_lowered;
	[smem:$0x3FD2] =	sst s25  }
0xb5: {  	s6 =	sshll.u32 s26, $0x1;
	_ =	strace $0x8000004C;
	[dreg:$0x1] =	wrdreg $0xFFFFFFFF  }
0xb6: {  	s28 =	simm.s32 $_size_execute0_lowered;
	s4 =	sadd.s32 s4, s6;
	[dreg:$0x0] =	wrdreg $0x0  }
0xb7: {  	s6 =	sshll.u32 s28, $0x1;
	[dreg:$0x2] =	wrdreg s4  }
0xb8: {  	[dreg:$0x3] =	wrdreg s6  }
0xb9: {  	[dreg:$0x4] =	wrdreg $0xC0  }
0xba: {  	_ =	task [dreg:s22], $0x5FFFF  }
0xbb: {  	[dreg:$0x1] =	wrdreg $0xFFFFFFFF  }
0xbc: {  	[dreg:$0x0] =	wrdreg $0x60  }
0xbd: {  	[dreg:$0x2] =	wrdreg s24  }
0xbe: {  	[dreg:$0x3] =	wrdreg s18  }
0xbf: {  	[dreg:$0x4] =	wrdreg $0x9  }
0xc0: {  	_ =	task.clear_ibuf [dreg:s22], $0x5FFFF;
	_ =	strace $0x9000004C  }
0xc1: {  	s29 =	simm.s32 $0x9;
	_ =	strace $0x8000004E  }
0xc2: {  	_ =	swait.ge [sflag:s29], $0x1  }
0xc3: {  	[sflag:s29] =	ssyncadd.s32 $0xFFFFFFFF  }
0xc4: {  	_ =	strace $0x9000004E  }
0xc5: {  	_ =	sfence  }
0xc6: {  	s30 =	sld [smem:$0x0];
	_ =	sdelay $0x2  }
0xc7: {  	s31 =	sshll.u32 s1, $0xD;
	s1 =	sshrl.u32 s1, $0x2  }
0xc8: {  	s4 =	sand.u32 $0x4000, s31;
	s1 =	sadd.s32 s1, s30  }
0xc9: {  	s0 =	sor.u32 s4, s0;
	s1 =	sshll.u32 s1, $0x11  }
0xca: {  	s0 =	sor.u32 s1, s0  }
0xcb: {  	s0 =	sadd.s32 $0x8F2B, s0  }
0xcc: {  	[sflag:s0] =	ssyncadd.remote.s32 $0x1  }
0xcd: {  	_ =	sfence.sel $0xFFFF  }
0xce: {  	[dreg:$0x0] =	wrdreg $0xFFFFFFFF;
	(pc) =	sbr.abs _section_cstart, $3  }
0xcf: {  	[dreg:$0x1] =	wrdreg $0xFFFFFFFF  }
0xd0: {  	_ =	task.clear_ibuf [dreg:s22], $0x2FFFF;
	_ =	strace $0x9FFFFFFF  }
0xd1: {  	(tm) =	ssettm $0x7FFFFFFF  }
tec
execute0_lowered:
.L_overlay_start_1:
0x0: {  	(tag) =	ssettag $0x1  }
0x1: {  	s1 =	srdreg.scid;
	s0 =	stileid.u32  }
0x2: {  	s22 =	sand.u32 $0x1, s1;
	s29 =	sshll.u32 s0, $0x1  }
0x3: {  	s8 =	rddreg [dreg:$0x0];
	s1 =	sor.u32 s22, s29  }
0x4: {  	s21 =	rddreg [dreg:$0x1];
	s2 =	simm.s32 $0x0;
	s23 =	smul.u32 $0x3840, s1  }
0x5: {  	[smem:$0x7FF] =	sst s2  }
0x6: {  	s1 =	rddreg [dreg:$0x2];
	s3 =	sshrl.u32 s23, $0x3  }
0x7: {  	_ =	strace $0x8000004D;
	s4 =	sadd.s32 s21, s3;
	s3 =	simm.s32 $0x2  }
0x8: {  	[tilespmem:s2], [sflag:$0x2] =	stream.linear.gather [hbm4b:s4+s2], $0x708, $0x38;
	[tilespmem:$0x3F48] =	vst v63  }
0x9: {  	_ =	swait.ge [sflag:s3], $0x708  }
0xa: {  	s6 =	simm.s32 $0x708;
	[sflag:s3] =	ssyncset.done $0x0  }
0xb: {  	s7 =	simm.s32 $0x1;
	s5 =	sadd.s32 $0x87400, s8;
	[sflag:s3] =	ssyncadd.s32 $0xFFFFF8F8  }
0xc: {  	[tilespmem:s6], [sflag:$0x1] =	stream.indirect.gather [hbm4b:s5+s6], $0x8, s2, s6, $0xb8;
	[tilespmem:$0x3F48] =	vst v63  }
0xd: {  	_ =	swait.ge [sflag:s7], $0x3840  }
0xe: {  	s24 =	sadd.s32 $0x8CE00, s8;
	[sflag:s7] =	ssyncset.done $0x0  }
0xf: {  	s8 =	sadd.s32 s24, s23;
	[sflag:s7] =	ssyncadd.s32 $0xFFFFC7C0  }
0x10: {  	[hbm4b:s8+s2] =	stream.linear.scatter [tilespmem:s6], [sflag:$0x2], $0x3840, $0x38;
	[tilespmem:$0x3F48] =	vst v63  }
0x11: {  	s10 =	sadd.s32 $0x708, s23;
	_ =	swait.ge [sflag:s3], $0x3840  }
0x12: {  	s9 =	sshrl.u32 s10, $0x3;
	[sflag:s3] =	ssyncset.done $0x0  }
0x13: {  	s9 =	sadd.s32 s21, s9;
	[sflag:s3] =	ssyncadd.s32 $0xFFFFC7C0  }
0x14: {  	[tilespmem:s2], [sflag:$0x2] =	stream.linear.gather [hbm4b:s9+s2], $0x708, $0x38;
	[tilespmem:$0x3F48] =	vst v63  }
0x15: {  	_ =	swait.ge [sflag:s3], $0x708  }
0x16: {  	[sflag:s3] =	ssyncset.done $0x0  }
0x17: {  	[sflag:s3] =	ssyncadd.s32 $0xFFFFF8F8  }
0x18: {  	[tilespmem:s6], [sflag:$0x1] =	stream.indirect.gather [hbm4b:s5+s6], $0x8, s2, s6, $0xb8;
	[tilespmem:$0x3F48] =	vst v63  }
0x19: {  	_ =	swait.ge [sflag:s7], $0x3840  }
0x1a: {  	[sflag:s7] =	ssyncset.done $0x0  }
0x1b: {  	s10 =	sadd.s32 s24, s10;
	[sflag:s7] =	ssyncadd.s32 $0xFFFFC7C0  }
0x1c: {  	[hbm4b:s10+s2] =	stream.linear.scatter [tilespmem:s6], [sflag:$0x2], $0x3840, $0x38;
	[tilespmem:$0x3F48] =	vst v63  }
0x1d: {  	s12 =	sadd.s32 $0xE10, s23;
	_ =	swait.ge [sflag:s3], $0x3840  }
0x1e: {  	s11 =	sshrl.u32 s12, $0x3;
	[sflag:s3] =	ssyncset.done $0x0  }
0x1f: {  	s11 =	sadd.s32 s21, s11;
	[sflag:s3] =	ssyncadd.s32 $0xFFFFC7C0  }
0x20: {  	[tilespmem:s2], [sflag:$0x2] =	stream.linear.gather [hbm4b:s11+s2], $0x708, $0x38;
	[tilespmem:$0x3F48] =	vst v63  }
0x21: {  	_ =	swait.ge [sflag:s3], $0x708  }
0x22: {  	[sflag:s3] =	ssyncset.done $0x0  }
0x23: {  	[sflag:s3] =	ssyncadd.s32 $0xFFFFF8F8  }
0x24: {  	[tilespmem:s6], [sflag:$0x1] =	stream.indirect.gather [hbm4b:s5+s6], $0x8, s2, s6, $0xb8;
	[tilespmem:$0x3F48] =	vst v63  }
0x25: {  	_ =	swait.ge [sflag:s7], $0x3840  }
0x26: {  	[sflag:s7] =	ssyncset.done $0x0  }
0x27: {  	s12 =	sadd.s32 s24, s12;
	[sflag:s7] =	ssyncadd.s32 $0xFFFFC7C0  }
0x28: {  	[hbm4b:s12+s2] =	stream.linear.scatter [tilespmem:s6], [sflag:$0x2], $0x3840, $0x38;
	[tilespmem:$0x3F48] =	vst v63  }
0x29: {  	s14 =	sadd.s32 $0x1518, s23;
	_ =	swait.ge [sflag:s3], $0x3840  }
0x2a: {  	s13 =	sshrl.u32 s14, $0x3;
	[sflag:s3] =	ssyncset.done $0x0  }
0x2b: {  	s13 =	sadd.s32 s21, s13;
	[sflag:s3] =	ssyncadd.s32 $0xFFFFC7C0  }
0x2c: {  	[tilespmem:s2], [sflag:$0x2] =	stream.linear.gather [hbm4b:s13+s2], $0x708, $0x38;
	[tilespmem:$0x3F48] =	vst v63  }
0x2d: {  	_ =	swait.ge [sflag:s3], $0x708  }
0x2e: {  	[sflag:s3] =	ssyncset.done $0x0  }
0x2f: {  	[sflag:s3] =	ssyncadd.s32 $0xFFFFF8F8  }
0x30: {  	[tilespmem:s6], [sflag:$0x1] =	stream.indirect.gather [hbm4b:s5+s6], $0x8, s2, s6, $0xb8;
	[tilespmem:$0x3F48] =	vst v63  }
0x31: {  	_ =	swait.ge [sflag:s7], $0x3840  }
0x32: {  	[sflag:s7] =	ssyncset.done $0x0  }
0x33: {  	s14 =	sadd.s32 s24, s14;
	[sflag:s7] =	ssyncadd.s32 $0xFFFFC7C0  }
0x34: {  	[hbm4b:s14+s2] =	stream.linear.scatter [tilespmem:s6], [sflag:$0x2], $0x3840, $0x38;
	[tilespmem:$0x3F48] =	vst v63  }
0x35: {  	s16 =	sadd.s32 $0x1C20, s23;
	_ =	swait.ge [sflag:s3], $0x3840  }
0x36: {  	s15 =	sshrl.u32 s16, $0x3;
	[sflag:s3] =	ssyncset.done $0x0  }
0x37: {  	s15 =	sadd.s32 s21, s15;
	[sflag:s3] =	ssyncadd.s32 $0xFFFFC7C0  }
0x38: {  	[tilespmem:s2], [sflag:$0x2] =	stream.linear.gather [hbm4b:s15+s2], $0x708, $0x38;
	[tilespmem:$0x3F48] =	vst v63  }
0x39: {  	_ =	swait.ge [sflag:s3], $0x708  }
0x3a: {  	[sflag:s3] =	ssyncset.done $0x0  }
0x3b: {  	[sflag:s3] =	ssyncadd.s32 $0xFFFFF8F8  }
0x3c: {  	[tilespmem:s6], [sflag:$0x1] =	stream.indirect.gather [hbm4b:s5+s6], $0x8, s2, s6, $0xb8;
	[tilespmem:$0x3F48] =	vst v63  }
0x3d: {  	_ =	swait.ge [sflag:s7], $0x3840  }
0x3e: {  	[sflag:s7] =	ssyncset.done $0x0  }
0x3f: {  	s16 =	sadd.s32 s24, s16;
	[sflag:s7] =	ssyncadd.s32 $0xFFFFC7C0  }
0x40: {  	[hbm4b:s16+s2] =	stream.linear.scatter [tilespmem:s6], [sflag:$0x2], $0x3840, $0x38;
	[tilespmem:$0x3F48] =	vst v63  }
0x41: {  	s18 =	sadd.s32 $0x2328, s23;
	_ =	swait.ge [sflag:s3], $0x3840  }
0x42: {  	s17 =	sshrl.u32 s18, $0x3;
	[sflag:s3] =	ssyncset.done $0x0  }
0x43: {  	s17 =	sadd.s32 s21, s17;
	[sflag:s3] =	ssyncadd.s32 $0xFFFFC7C0  }
0x44: {  	[tilespmem:s2], [sflag:$0x2] =	stream.linear.gather [hbm4b:s17+s2], $0x708, $0x38;
	[tilespmem:$0x3F48] =	vst v63  }
0x45: {  	_ =	swait.ge [sflag:s3], $0x708  }
0x46: {  	[sflag:s3] =	ssyncset.done $0x0  }
0x47: {  	[sflag:s3] =	ssyncadd.s32 $0xFFFFF8F8  }
0x48: {  	[tilespmem:s6], [sflag:$0x1] =	stream.indirect.gather [hbm4b:s5+s6], $0x8, s2, s6, $0xb8;
	[tilespmem:$0x3F48] =	vst v63  }
0x49: {  	_ =	swait.ge [sflag:s7], $0x3840  }
0x4a: {  	[sflag:s7] =	ssyncset.done $0x0  }
0x4b: {  	s18 =	sadd.s32 s24, s18;
	[sflag:s7] =	ssyncadd.s32 $0xFFFFC7C0  }
0x4c: {  	[hbm4b:s18+s2] =	stream.linear.scatter [tilespmem:s6], [sflag:$0x2], $0x3840, $0x38;
	[tilespmem:$0x3F48] =	vst v63  }
0x4d: {  	s20 =	sadd.s32 $0x2A30, s23;
	_ =	swait.ge [sflag:s3], $0x3840  }
0x4e: {  	s19 =	sshrl.u32 s20, $0x3;
	[sflag:s3] =	ssyncset.done $0x0  }
0x4f: {  	s19 =	sadd.s32 s21, s19;
	[sflag:s3] =	ssyncadd.s32 $0xFFFFC7C0  }
0x50: {  	[tilespmem:s2], [sflag:$0x2] =	stream.linear.gather [hbm4b:s19+s2], $0x708, $0x38;
	[tilespmem:$0x3F48] =	vst v63  }
0x51: {  	_ =	swait.ge [sflag:s3], $0x708  }
0x52: {  	[sflag:s3] =	ssyncset.done $0x0  }
0x53: {  	[sflag:s3] =	ssyncadd.s32 $0xFFFFF8F8  }
0x54: {  	[tilespmem:s6], [sflag:$0x1] =	stream.indirect.gather [hbm4b:s5+s6], $0x8, s2, s6, $0xb8;
	[tilespmem:$0x3F48] =	vst v63  }
0x55: {  	_ =	swait.ge [sflag:s7], $0x3840  }
0x56: {  	[sflag:s7] =	ssyncset.done $0x0  }
0x57: {  	s20 =	sadd.s32 s24, s20;
	[sflag:s7] =	ssyncadd.s32 $0xFFFFC7C0  }
0x58: {  	[hbm4b:s20+s2] =	stream.linear.scatter [tilespmem:s6], [sflag:$0x2], $0x3840, $0x38;
	[tilespmem:$0x3F48] =	vst v63  }
0x59: {  	s23 =	sadd.s32 $0x3138, s23;
	_ =	swait.ge [sflag:s3], $0x3840  }
0x5a: {  	s25 =	sshrl.u32 s23, $0x3;
	[sflag:s3] =	ssyncset.done $0x0  }
0x5b: {  	s22 =	ssub.s32 $0x2, s22;
	s21 =	sadd.s32 s21, s25;
	[sflag:s3] =	ssyncadd.s32 $0xFFFFC7C0  }
0x5c: {  	[tilespmem:s2], [sflag:$0x2] =	stream.linear.gather [hbm4b:s21+s2], $0x708, $0x38;
	[tilespmem:$0x3F48] =	vst v63  }
0x5d: {  	s30 =	sshrl.u32 s22, $0x1;
	_ =	swait.ge [sflag:s3], $0x708  }
0x5e: {  	s25 =	ssub.s32 s22, s30;
	[sflag:s3] =	ssyncset.done $0x0  }
0x5f: {  	s31 =	smax.u32 s25, $0x1;
	[sflag:s3] =	ssyncadd.s32 $0xFFFFF8F8  }
0x60: {  	[tilespmem:s6], [sflag:$0x1] =	stream.indirect.gather [hbm4b:s5+s6], $0x8, s2, s6, $0xb8;
	[tilespmem:$0x3F48] =	vst v63  }
0x61: {  	p0 =	sne.s32 s31, $0x1;
	_ =	swait.ge [sflag:s7], $0x3840  }
.Ltmp0:
0x62: {  	[sflag:s7] =	ssyncset.done $0x0;
	(pc) =	sbr.rel @!p0 .LBB2_2-.Ltmp0, $4  }
0x63: {  	s22 =	sadd.s32 s24, s23;
	[sflag:s7] =	ssyncadd.s32 $0xFFFFC7C0  }
0x64: {  	[hbm4b:s22+s2] =	stream.linear.scatter [tilespmem:s6], [sflag:$0x2], $0x3840, $0x38;
	[tilespmem:$0x3F48] =	vst v63  }
0x65: {  	_ =	swait.ge [sflag:s3], $0x3840  }
0x66: {  	s23 =	sadd.s32 $0xFFFFFFFF, s31;
	[sflag:s3] =	ssyncset.done $0x0  }
.LBB2_1:
0x67: {  	p0 =	sne.s32 s23, $0x1;
	s23 =	sadd.s32 $0xFFFFFFFF, s23;
	[sflag:s3] =	ssyncadd.s32 $0xFFFFC7C0  }
0x68: {  	[tilespmem:s2], [sflag:$0x2] =	stream.linear.gather [hbm4b:s4+s2], $0x708, $0x38;
	[tilespmem:$0x3F48] =	vst v63  }
0x69: {  	_ =	swait.ge [sflag:s3], $0x708  }
0x6a: {  	[sflag:s3] =	ssyncset.done $0x0  }
0x6b: {  	[sflag:s3] =	ssyncadd.s32 $0xFFFFF8F8  }
0x6c: {  	[tilespmem:s6], [sflag:$0x1] =	stream.indirect.gather [hbm4b:s5+s6], $0x8, s2, s6, $0xb8;
	[tilespmem:$0x3F48] =	vst v63  }
0x6d: {  	_ =	swait.ge [sflag:s7], $0x3840  }
0x6e: {  	[sflag:s7] =	ssyncset.done $0x0  }
0x6f: {  	[sflag:s7] =	ssyncadd.s32 $0xFFFFC7C0  }
0x70: {  	[hbm4b:s8+s2] =	stream.linear.scatter [tilespmem:s6], [sflag:$0x2], $0x3840, $0x38;
	[tilespmem:$0x3F48] =	vst v63  }
0x71: {  	_ =	swait.ge [sflag:s3], $0x3840  }
0x72: {  	[sflag:s3] =	ssyncset.done $0x0  }
0x73: {  	[sflag:s3] =	ssyncadd.s32 $0xFFFFC7C0  }
0x74: {  	[tilespmem:s2], [sflag:$0x2] =	stream.linear.gather [hbm4b:s9+s2], $0x708, $0x38;
	[tilespmem:$0x3F48] =	vst v63  }
0x75: {  	_ =	swait.ge [sflag:s3], $0x708  }
0x76: {  	[sflag:s3] =	ssyncset.done $0x0  }
0x77: {  	[sflag:s3] =	ssyncadd.s32 $0xFFFFF8F8  }
0x78: {  	[tilespmem:s6], [sflag:$0x1] =	stream.indirect.gather [hbm4b:s5+s6], $0x8, s2, s6, $0xb8;
	[tilespmem:$0x3F48] =	vst v63  }
0x79: {  	_ =	swait.ge [sflag:s7], $0x3840  }
0x7a: {  	[sflag:s7] =	ssyncset.done $0x0  }
0x7b: {  	[sflag:s7] =	ssyncadd.s32 $0xFFFFC7C0  }
0x7c: {  	[hbm4b:s10+s2] =	stream.linear.scatter [tilespmem:s6], [sflag:$0x2], $0x3840, $0x38;
	[tilespmem:$0x3F48] =	vst v63  }
0x7d: {  	_ =	swait.ge [sflag:s3], $0x3840  }
0x7e: {  	[sflag:s3] =	ssyncset.done $0x0  }
0x7f: {  	[sflag:s3] =	ssyncadd.s32 $0xFFFFC7C0  }
0x80: {  	[tilespmem:s2], [sflag:$0x2] =	stream.linear.gather [hbm4b:s11+s2], $0x708, $0x38;
	[tilespmem:$0x3F48] =	vst v63  }
0x81: {  	_ =	swait.ge [sflag:s3], $0x708  }
0x82: {  	[sflag:s3] =	ssyncset.done $0x0  }
0x83: {  	[sflag:s3] =	ssyncadd.s32 $0xFFFFF8F8  }
0x84: {  	[tilespmem:s6], [sflag:$0x1] =	stream.indirect.gather [hbm4b:s5+s6], $0x8, s2, s6, $0xb8;
	[tilespmem:$0x3F48] =	vst v63  }
0x85: {  	_ =	swait.ge [sflag:s7], $0x3840  }
0x86: {  	[sflag:s7] =	ssyncset.done $0x0  }
0x87: {  	[sflag:s7] =	ssyncadd.s32 $0xFFFFC7C0  }
0x88: {  	[hbm4b:s12+s2] =	stream.linear.scatter [tilespmem:s6], [sflag:$0x2], $0x3840, $0x38;
	[tilespmem:$0x3F48] =	vst v63  }
0x89: {  	_ =	swait.ge [sflag:s3], $0x3840  }
0x8a: {  	[sflag:s3] =	ssyncset.done $0x0  }
0x8b: {  	[sflag:s3] =	ssyncadd.s32 $0xFFFFC7C0  }
0x8c: {  	[tilespmem:s2], [sflag:$0x2] =	stream.linear.gather [hbm4b:s13+s2], $0x708, $0x38;
	[tilespmem:$0x3F48] =	vst v63  }
0x8d: {  	_ =	swait.ge [sflag:s3], $0x708  }
0x8e: {  	[sflag:s3] =	ssyncset.done $0x0  }
0x8f: {  	[sflag:s3] =	ssyncadd.s32 $0xFFFFF8F8  }
0x90: {  	[tilespmem:s6], [sflag:$0x1] =	stream.indirect.gather [hbm4b:s5+s6], $0x8, s2, s6, $0xb8;
	[tilespmem:$0x3F48] =	vst v63  }
0x91: {  	_ =	swait.ge [sflag:s7], $0x3840  }
0x92: {  	[sflag:s7] =	ssyncset.done $0x0  }
0x93: {  	[sflag:s7] =	ssyncadd.s32 $0xFFFFC7C0  }
0x94: {  	[hbm4b:s14+s2] =	stream.linear.scatter [tilespmem:s6], [sflag:$0x2], $0x3840, $0x38;
	[tilespmem:$0x3F48] =	vst v63  }
0x95: {  	_ =	swait.ge [sflag:s3], $0x3840  }
0x96: {  	[sflag:s3] =	ssyncset.done $0x0  }
0x97: {  	[sflag:s3] =	ssyncadd.s32 $0xFFFFC7C0  }
0x98: {  	[tilespmem:s2], [sflag:$0x2] =	stream.linear.gather [hbm4b:s15+s2], $0x708, $0x38;
	[tilespmem:$0x3F48] =	vst v63  }
0x99: {  	_ =	swait.ge [sflag:s3], $0x708  }
0x9a: {  	[sflag:s3] =	ssyncset.done $0x0  }
0x9b: {  	[sflag:s3] =	ssyncadd.s32 $0xFFFFF8F8  }
0x9c: {  	[tilespmem:s6], [sflag:$0x1] =	stream.indirect.gather [hbm4b:s5+s6], $0x8, s2, s6, $0xb8;
	[tilespmem:$0x3F48] =	vst v63  }
0x9d: {  	_ =	swait.ge [sflag:s7], $0x3840  }
0x9e: {  	[sflag:s7] =	ssyncset.done $0x0  }
0x9f: {  	[sflag:s7] =	ssyncadd.s32 $0xFFFFC7C0  }
0xa0: {  	[hbm4b:s16+s2] =	stream.linear.scatter [tilespmem:s6], [sflag:$0x2], $0x3840, $0x38;
	[tilespmem:$0x3F48] =	vst v63  }
0xa1: {  	_ =	swait.ge [sflag:s3], $0x3840  }
0xa2: {  	[sflag:s3] =	ssyncset.done $0x0  }
0xa3: {  	[sflag:s3] =	ssyncadd.s32 $0xFFFFC7C0  }
0xa4: {  	[tilespmem:s2], [sflag:$0x2] =	stream.linear.gather [hbm4b:s17+s2], $0x708, $0x38;
	[tilespmem:$0x3F48] =	vst v63  }
0xa5: {  	_ =	swait.ge [sflag:s3], $0x708  }
0xa6: {  	[sflag:s3] =	ssyncset.done $0x0  }
0xa7: {  	[sflag:s3] =	ssyncadd.s32 $0xFFFFF8F8  }
0xa8: {  	[tilespmem:s6], [sflag:$0x1] =	stream.indirect.gather [hbm4b:s5+s6], $0x8, s2, s6, $0xb8;
	[tilespmem:$0x3F48] =	vst v63  }
0xa9: {  	_ =	swait.ge [sflag:s7], $0x3840  }
0xaa: {  	[sflag:s7] =	ssyncset.done $0x0  }
0xab: {  	[sflag:s7] =	ssyncadd.s32 $0xFFFFC7C0  }
0xac: {  	[hbm4b:s18+s2] =	stream.linear.scatter [tilespmem:s6], [sflag:$0x2], $0x3840, $0x38;
	[tilespmem:$0x3F48] =	vst v63  }
0xad: {  	_ =	swait.ge [sflag:s3], $0x3840  }
0xae: {  	[sflag:s3] =	ssyncset.done $0x0  }
0xaf: {  	[sflag:s3] =	ssyncadd.s32 $0xFFFFC7C0  }
0xb0: {  	[tilespmem:s2], [sflag:$0x2] =	stream.linear.gather [hbm4b:s19+s2], $0x708, $0x38;
	[tilespmem:$0x3F48] =	vst v63  }
0xb1: {  	_ =	swait.ge [sflag:s3], $0x708  }
0xb2: {  	[sflag:s3] =	ssyncset.done $0x0  }
0xb3: {  	[sflag:s3] =	ssyncadd.s32 $0xFFFFF8F8  }
0xb4: {  	[tilespmem:s6], [sflag:$0x1] =	stream.indirect.gather [hbm4b:s5+s6], $0x8, s2, s6, $0xb8;
	[tilespmem:$0x3F48] =	vst v63  }
0xb5: {  	_ =	swait.ge [sflag:s7], $0x3840  }
0xb6: {  	[sflag:s7] =	ssyncset.done $0x0  }
0xb7: {  	[sflag:s7] =	ssyncadd.s32 $0xFFFFC7C0  }
0xb8: {  	[hbm4b:s20+s2] =	stream.linear.scatter [tilespmem:s6], [sflag:$0x2], $0x3840, $0x38;
	[tilespmem:$0x3F48] =	vst v63  }
0xb9: {  	_ =	swait.ge [sflag:s3], $0x3840  }
0xba: {  	[sflag:s3] =	ssyncset.done $0x0  }
0xbb: {  	[sflag:s3] =	ssyncadd.s32 $0xFFFFC7C0  }
0xbc: {  	[tilespmem:s2], [sflag:$0x2] =	stream.linear.gather [hbm4b:s21+s2], $0x708, $0x38;
	[tilespmem:$0x3F48] =	vst v63  }
0xbd: {  	_ =	swait.ge [sflag:s3], $0x708  }
0xbe: {  	[sflag:s3] =	ssyncset.done $0x0  }
0xbf: {  	[sflag:s3] =	ssyncadd.s32 $0xFFFFF8F8  }
0xc0: {  	[tilespmem:s6], [sflag:$0x1] =	stream.indirect.gather [hbm4b:s5+s6], $0x8, s2, s6, $0xb8;
	[tilespmem:$0x3F48] =	vst v63  }
0xc1: {  	_ =	swait.ge [sflag:s7], $0x3840  }
.Ltmp1:
0xc2: {  	[sflag:s7] =	ssyncset.done $0x0;
	(pc) =	sbr.rel @p0 .LBB2_1-.Ltmp1, $4  }
0xc3: {  	[sflag:s7] =	ssyncadd.s32 $0xFFFFC7C0  }
0xc4: {  	[hbm4b:s22+s2] =	stream.linear.scatter [tilespmem:s6], [sflag:$0x2], $0x3840, $0x38;
	[tilespmem:$0x3F48] =	vst v63  }
0xc5: {  	_ =	swait.ge [sflag:s3], $0x3840  }
0xc6: {  	[sflag:s3] =	ssyncset.done $0x0  }
.LBB2_2:
0xc7: {  	[sflag:s3] =	ssyncadd.s32 $0xFFFFC7C0  }
0xc8: {  	_ =	sfence.sel $0x180000  }
0xc9: {  	[bflag:$0x0] =	sbarrier.arrive $0xFFFF  }
0xca: {  	p0 =	sne.s32 s0, $0x0;
	_ =	strace $0x9000004D  }
0xcb: {  	s0 =	sadd.s32 @!p0 $0x100000, s1;
	[bflag:$0x2] =	sbarrier.arrive $0xFFFF  }
0xcc: {  	[sflag:s0] =	ssyncadd.tile.s32 @!p0 $0x1;
	_ =	shalt  }
.Lfunc_end2:
_tile_overlayer_lowered:
.L_overlay_start_2:
0xcd: {  	(tag) =	ssettag $0x2  }
0xce: {  	s0 =	rddreg [dreg:$0x0];
	s2 =	stileid.u32  }
0xcf: {  	s1 =	rddreg [dreg:$0x1];
	p0 =	sne.s32 s2, $0x0  }
0xd0: {  	s3 =	rddreg [dreg:$0x2];
	[bflag:$0x3] =	sbarrier.arrive $0xFFFF;
	s2 =	simm.s32 @!p0 $0x1C02  }
0xd1: {  	[timem:s3], [sflag:s2] =	dma.local @!p0 [hbm:s0], s1  }
0xd2: {  	s0 =	simm.s32 @!p0 $0x2  }
0xd3: {  	_ =	swait.ge @!p0 [sflag:s0], s1  }
0xd4: {  	s1 =	ssub.s32 @!p0 $0x0, s1;
	[sflag:s0] =	ssyncset.done @!p0 $0x0  }
0xd5: {  	[sflag:s0] =	ssyncadd.s32 @!p0 s1  }
0xd6: {  	[bflag:$0x3] =	sbarrier.arrive $0xFFFF  }
0xd7: {  	_ =	shalt  }

// kernel: kernel.14.cloned.1.call-start
scs
__scs_entry_jumppad:
0x0: {  	(pc) =	sbr.rel $0x88, $3  }
0x1: {  	(tag) =	ssettag $0x0;
	lr =	simm.s32 $0x1  }
0x2: {  	[smem:$0x3F92] =	sst lr;
	_ =	strace $0xD0000000  }
0x3: {  	_ = 	snop  }
0x4: {  	_ = 	snop  }
0x5: {  	_ = 	snop  }
0x6: {  	_ = 	snop  }
0x7: {  	_ = 	snop  }
__scs_overlays_trampoline_lowered:
0x8: {  	[smem:$0x3FA1] =	sst s0  }
0x9: {  	[smem:$0x3FA2] =	sst s1  }
0xa: {  	[smem:$0x3FA3] =	sst s2  }
0xb: {  	[smem:$0x3FA4] =	sst s3  }
0xc: {  	[smem:$0x3FA5] =	sst s4  }
0xd: {  	[smem:$0x3FA6] =	sst s5  }
0xe: {  	[smem:$0x3FA7] =	sst s6  }
0xf: {  	[smem:$0x3FA8] =	sst s7  }
0x10: {  	[smem:$0x3FA9] =	sst s8  }
0x11: {  	[smem:$0x3FAA] =	sst s9;
	s0 =	simm.s32 @!p0 $0x0  }
0x12: {  	s1 =	sld [smem:$0x3F90];
	s0 =	simm.s32 @p0 $0x1  }
0x13: {  	[smem:$0x3FAB] =	sst s0;
	s0 =	simm.s32 @!p1 $0x0  }
0x14: {  	s2 =	sld [smem:$0x3F8F];
	s0 =	simm.s32 @p1 $0x1  }
0x15: {  	[smem:$0x3FAC] =	sst s0;
	s0 =	simm.s32 @!p2 $0x0  }
0x16: {  	s3 =	sld [smem:$0x3FDB];
	s0 =	simm.s32 @p2 $0x1  }
0x17: {  	s4 =	simm.s32 $0x1BF5;
	[smem:$0x3FAE] =	sst s0  }
0x18: {  	s0 =	sld [smem:$0x3F91];
	_ =	swait.ge [sflag:s4], $0x0  }
0x19: {  	s7 =	sld [smem:$0x3F92]  }
0x1a: {  	s8 =	sadd.s32 $0xFFFFE003, lr  }
0x1b: {  	s9 =	sadd.s32 $0xFFFFFEF7, lr;
	s5 =	simm.s32 $0xFFFFFFFF;
	p2 =	slt.u32 s8, $0xFFFFF086  }
0x1c: {  	p1 =	slt.u32 s9, $0xF7A;
	s5 =	simm.s32 @!p2 $0x0  }
0x1d: {  	s5 =	simm.s32 @p1 $0x1;
	p0 =	seq.s32 s7, s2  }
0x1e: {  	s7 =	smul.u32 @!p0 $0xF7A, s2;
	p2 =	seq.s32 @!p0 s5, $0x0  }
0x1f: {  	s9 =	smul.u32 $0xF7A, s1;
	s8 =	simm.s32 @!p0 $0x1BF5;
	p2 =	por !p2, p0  }
0x20: {  	[sflag:s8] =	ssyncset.s32 @!p0 $0xFFFFF086;
	s6 =	sadd.s32 @!p0 s3, s7;
	s7 =	simm.s32 @!p0 $0x108  }
0x21: {  	s3 =	sadd.s32 s3, s9;
	s6 =	sadd.s32 @!p0 $0x88, s6;
	s7 =	simm.s32 @p2 $0x1082  }
0x22: {  	[simem:s7], [sflag:s8] =	dma.local @!p0 [hbm:s6], $0xF7A  }
0x23: {  	s9 =	sor.u32 $0xD0000000, s2;
	s6 =	simm.s32 $0x108;
	_ =	swait.ge @!p0 [sflag:s8], $0x0  }
0x24: {  	s3 =	sadd.s32 $0x88, s3;
	s6 =	simm.s32 @!p1 $0x1082;
	[sflag:s4] =	ssyncset.s32 $0xFFFFF086  }
0x25: {  	[simem:s6], [sflag:s4] =	dma.local [hbm:s3], $0xF7A  }
0x26: {  	[smem:$0x3F92] =	sst s1;
	(tag) =	ssettag s2;
	_ =	strace s9  }
0x27: {  	s1 =	sld [smem:$0x3FA2]  }
0x28: {  	s2 =	sld [smem:$0x3FA3]  }
0x29: {  	s4 =	sld [smem:$0x3FA5]  }
0x2a: {  	p0 =	seq.s32 s5, $0x0;
	s5 =	sld [smem:$0x3FA6]  }
0x2b: {  	s6 =	sld [smem:$0x3FA7]  }
0x2c: {  	s7 =	sld [smem:$0x3FA8]  }
0x2d: {  	s3 =	simm.s32 $0x108;
	s8 =	sld [smem:$0x3FA9]  }
0x2e: {  	s3 =	simm.s32 @!p0 $0x1082;
	s9 =	sld [smem:$0x3FAA]  }
0x2f: {  	lr =	sadd.s32 s0, s3;
	s0 =	sld [smem:$0x3FA1]  }
0x30: {  	s3 =	sld [smem:$0x3FA4]  }
0x31: {  	[smem:$0x3FAD] =	sst s10  }
0x32: {  	s10 =	sld [smem:$0x3FAB];
	_ =	sdelay $0x3  }
0x33: {  	p0 =	seq.s32 s10, $0x1;
	s10 =	sld [smem:$0x3FAD];
	_ =	sdelay $0x3  }
0x34: {  	[smem:$0x3FAD] =	sst s10  }
0x35: {  	s10 =	sld [smem:$0x3FAC];
	_ =	sdelay $0x3  }
0x36: {  	p1 =	seq.s32 s10, $0x1;
	s10 =	sld [smem:$0x3FAD];
	_ =	sdelay $0x3  }
0x37: {  	[smem:$0x3FAD] =	sst s10  }
0x38: {  	s10 =	sld [smem:$0x3FAE]  }
0x39: {  	_ = 	snop;
	(pc) =	sbr.ind lr, $3  }
0x3a: {  	_ = 	snop  }
0x3b: {  	_ = 	snop  }
0x3c: {  	p2 =	seq.s32 s10, $0x1;
	s10 =	sld [smem:$0x3FAD]  }
0x3d: {  	_ =	shalt  }
0x3e: {  	_ =	shalt  }
0x3f: {  	_ =	shalt  }
0x40: {  	_ =	shalt  }
0x41: {  	_ =	shalt  }
0x42: {  	_ =	shalt  }
0x43: {  	_ =	shalt  }
0x44: {  	_ =	shalt  }
0x45: {  	_ =	shalt  }
0x46: {  	_ =	shalt  }
0x47: {  	_ =	shalt  }
0x48: {  	_ =	shalt  }
0x49: {  	_ =	shalt  }
0x4a: {  	_ =	shalt  }
0x4b: {  	_ =	shalt  }
0x4c: {  	_ =	shalt  }
0x4d: {  	_ =	shalt  }
0x4e: {  	_ =	shalt  }
0x4f: {  	_ =	shalt  }
0x50: {  	_ =	shalt  }
0x51: {  	_ =	shalt  }
0x52: {  	_ =	shalt  }
0x53: {  	_ =	shalt  }
0x54: {  	_ =	shalt  }
0x55: {  	_ =	shalt  }
0x56: {  	_ =	shalt  }
0x57: {  	_ =	shalt  }
0x58: {  	_ =	shalt  }
0x59: {  	_ =	shalt  }
0x5a: {  	_ =	shalt  }
0x5b: {  	_ =	shalt  }
0x5c: {  	_ =	shalt  }
0x5d: {  	_ =	shalt  }
0x5e: {  	_ =	shalt  }
0x5f: {  	_ =	shalt  }
0x60: {  	_ =	shalt  }
0x61: {  	_ =	shalt  }
0x62: {  	_ =	shalt  }
0x63: {  	_ =	shalt  }
0x64: {  	_ =	shalt  }
0x65: {  	_ =	shalt  }
0x66: {  	_ =	shalt  }
0x67: {  	_ =	shalt  }
0x68: {  	_ =	shalt  }
0x69: {  	_ =	shalt  }
0x6a: {  	_ =	shalt  }
0x6b: {  	_ =	shalt  }
0x6c: {  	_ =	shalt  }
0x6d: {  	_ =	shalt  }
0x6e: {  	_ =	shalt  }
0x6f: {  	_ =	shalt  }
0x70: {  	_ =	shalt  }
0x71: {  	_ =	shalt  }
0x72: {  	_ =	shalt  }
0x73: {  	_ =	shalt  }
0x74: {  	_ =	shalt  }
0x75: {  	_ =	shalt  }
0x76: {  	_ =	shalt  }
0x77: {  	_ =	shalt  }
0x78: {  	_ =	shalt  }
0x79: {  	_ =	shalt  }
0x7a: {  	_ =	shalt  }
0x7b: {  	_ =	shalt  }
0x7c: {  	_ =	shalt  }
0x7d: {  	_ =	shalt  }
0x7e: {  	_ =	shalt  }
0x7f: {  	_ =	shalt  }
0x80: {  	_ =	shalt  }
0x81: {  	_ =	shalt  }
0x82: {  	_ =	shalt  }
0x83: {  	_ =	shalt  }
0x84: {  	_ =	shalt  }
0x85: {  	_ =	shalt  }
0x86: {  	_ =	shalt  }
0x87: {  	_ =	shalt  }
.Lfunc_end0:
.L_simem_size_0:
called_computation.2_lowered:
.L_overlay_start_0:
0x88: {  	s2 =	sld [smem:$0x3FD9]  }
0x89: {  	s3 =	sld [smem:$0x3FFE];
	_ =	sdelay $0x1  }
0x8a: {  	s1 =	srdreg.scid  }
0x8b: {  	s0 =	sand.u32 $0x1, s1  }
0x8c: {  	s16 =	sshll.u32 s0, $0xA;
	s2 =	sadd.s32 s3, s2  }
0x8d: {  	s2 =	sadd.s32 s2, s16  }
0x8e: {  	[smem:$0x3FB9] =	sst s2  }
0x8f: {  	_ = 	snop  }
0x90: {  	(tm) =	ssettm $0x1  }
0x91: {  	s17 =	sld [smem:$0x3FFB];
	_ =	sdelay $0x3  }
0x92: {  	_ =	strace s17  }
0x93: {  	s2 =	sld [smem:$0x3FFC];
	_ =	sdelay $0x3  }
0x94: {  	_ =	strace s2  }
0x95: {  	s2 =	sld [smem:$0x3FFD];
	_ =	sdelay $0x3  }
0x96: {  	_ =	strace s2  }
0x97: {  	_ =	strace $0x8FFFFFFF  }
0x98: {  	s18 =	sld [smem:$0x3FDB];
	_ =	sdelay $0x1  }
0x99: {  	s19 =	simm.s32 $_scs_section_size  }
0x9a: {  	s4 =	simm.s32 $_size__tile_overlayer_lowered;
	s5 =	simm.s32 $_tile_overlayer_lowered  }
0x9b: {  	s22 =	simm.s32 $0x1BFF;
	s21 =	sshll.u32 s5, $0x1;
	s2 =	sadd.s32 s19, s18  }
0x9c: {  	s6 =	simm.s32 $0x0;
	s20 =	sshll.u32 s4, $0x1;
	s4 =	sadd.s32 s21, s2  }
0x9d: {  	[timem:s6], [sflag:s22] =	dma.local [hbm:s4], s20  }
0x9e: {  	_ =	swait.ge [sflag:s22], s20  }
0x9f: {  	s3 =	ssub.s32 $0x0, s20;
	[sflag:s22] =	ssyncset.done $0x0  }
0xa0: {  	[sflag:s22] =	ssyncadd.s32 s3;
	_ =	sdelay $0x1  }
0xa1: {  	s23 =	simm.s32 $0x1B8B  }
0xa2: {  	_ =	swait.ge [sflag:s23], $0x1  }
0xa3: {  	[sflag:s23] =	ssyncset.done $0x0  }
0xa4: {  	s25 =	simm.s32 $0x1B8E;
	s24 =	sld [smem:$0x3FFE];
	[sflag:s23] =	ssyncadd.s32 $0xFFFFFFFF  }
0xa5: {  	s26 =	simm.s32 $execute0_lowered;
	[smem:$0x3FD2] =	sst s25  }
0xa6: {  	s4 =	sshll.u32 s26, $0x1;
	_ =	strace $0x80000049;
	[dreg:$0x1] =	wrdreg $0xFFFFFFFF  }
0xa7: {  	s28 =	simm.s32 $_size_execute0_lowered;
	s2 =	sadd.s32 s2, s4;
	[dreg:$0x0] =	wrdreg $0x0  }
0xa8: {  	s4 =	sshll.u32 s28, $0x1;
	[dreg:$0x2] =	wrdreg s2  }
0xa9: {  	[dreg:$0x3] =	wrdreg s4  }
0xaa: {  	[dreg:$0x4] =	wrdreg $0xC0  }
0xab: {  	_ =	task [dreg:s6], $0x5FFFF  }
0xac: {  	[dreg:$0x1] =	wrdreg $0xFFFFFFFF  }
0xad: {  	[dreg:$0x0] =	wrdreg $0x60  }
0xae: {  	[dreg:$0x2] =	wrdreg s24  }
0xaf: {  	[dreg:$0x3] =	wrdreg $0xA  }
0xb0: {  	_ =	task.clear_ibuf [dreg:s6], $0x4FFFF;
	_ =	strace $0x90000049  }
0xb1: {  	s29 =	simm.s32 $0xA;
	_ =	strace $0x8000004B  }
0xb2: {  	_ =	swait.ge [sflag:s29], $0x1  }
0xb3: {  	[sflag:s29] =	ssyncadd.s32 $0xFFFFFFFF  }
0xb4: {  	_ =	strace $0x9000004B  }
0xb5: {  	_ =	sfence  }
0xb6: {  	s30 =	sld [smem:$0x0];
	_ =	sdelay $0x2  }
0xb7: {  	s31 =	sshll.u32 s1, $0xD;
	s1 =	sshrl.u32 s1, $0x2  }
0xb8: {  	s3 =	sand.u32 $0x4000, s31;
	s1 =	sadd.s32 s1, s30  }
0xb9: {  	s0 =	sor.u32 s3, s0;
	s1 =	sshll.u32 s1, $0x11  }
0xba: {  	s0 =	sor.u32 s1, s0  }
0xbb: {  	s0 =	sadd.s32 $0x8F2B, s0  }
0xbc: {  	[sflag:s0] =	ssyncadd.remote.s32 $0x1  }
0xbd: {  	_ =	sfence.sel $0xFFFF  }
0xbe: {  	[dreg:$0x0] =	wrdreg $0xFFFFFFFF;
	(pc) =	sbr.abs _section_cstart, $3  }
0xbf: {  	[dreg:$0x1] =	wrdreg $0xFFFFFFFF  }
0xc0: {  	_ =	task.clear_ibuf [dreg:s6], $0x2FFFF;
	_ =	strace $0x9FFFFFFF  }
0xc1: {  	(tm) =	ssettm $0x7FFFFFFF  }
tec
execute0_lowered:
.L_overlay_start_1:
0x0: {  	(tag) =	ssettag $0x1  }
0x1: {  	s1 =	srdreg.scid;
	s0 =	stileid.u32  }
0x2: {  	s22 =	sand.u32 $0x1, s1;
	s29 =	sshll.u32 s0, $0x1  }
0x3: {  	s1 =	sor.u32 s22, s29  }
0x4: {  	s8 =	rddreg [dreg:$0x0];
	s2 =	simm.s32 $0x0;
	s23 =	smul.u32 $0x3840, s1  }
0x5: {  	[smem:$0x7FF] =	sst s2  }
0x6: {  	s21 =	sadd.s32 $0x8A00, s8;
	s1 =	rddreg [dreg:$0x1];
	s3 =	sshrl.u32 s23, $0x3  }
0x7: {  	_ =	strace $0x8000004A;
	s4 =	sadd.s32 s21, s3;
	s3 =	simm.s32 $0x2  }
0x8: {  	[tilespmem:s2], [sflag:$0x2] =	stream.linear.gather [hbm4b:s4+s2], $0x708, $0x38;
	[tilespmem:$0x3F48] =	vst v63  }
0x9: {  	_ =	swait.ge [sflag:s3], $0x708  }
0xa: {  	s6 =	simm.s32 $0x708;
	[sflag:s3] =	ssyncset.done $0x0  }
0xb: {  	s7 =	simm.s32 $0x1;
	s5 =	sadd.s32 $0x3000, s8;
	[sflag:s3] =	ssyncadd.s32 $0xFFFFF8F8  }
0xc: {  	[tilespmem:s6], [sflag:$0x1] =	stream.indirect.gather [hbm4b:s5+s6], $0x8, s2, s6, $0xb8;
	[tilespmem:$0x3F48] =	vst v63  }
0xd: {  	_ =	swait.ge [sflag:s7], $0x3840  }
0xe: {  	s24 =	sadd.s32 $0x16C00, s8;
	[sflag:s7] =	ssyncset.done $0x0  }
0xf: {  	s8 =	sadd.s32 s24, s23;
	[sflag:s7] =	ssyncadd.s32 $0xFFFFC7C0  }
0x10: {  	[hbm4b:s8+s2] =	stream.linear.scatter [tilespmem:s6], [sflag:$0x2], $0x3840, $0x38;
	[tilespmem:$0x3F48] =	vst v63  }
0x11: {  	s10 =	sadd.s32 $0x708, s23;
	_ =	swait.ge [sflag:s3], $0x3840  }
0x12: {  	s9 =	sshrl.u32 s10, $0x3;
	[sflag:s3] =	ssyncset.done $0x0  }
0x13: {  	s9 =	sadd.s32 s21, s9;
	[sflag:s3] =	ssyncadd.s32 $0xFFFFC7C0  }
0x14: {  	[tilespmem:s2], [sflag:$0x2] =	stream.linear.gather [hbm4b:s9+s2], $0x708, $0x38;
	[tilespmem:$0x3F48] =	vst v63  }
0x15: {  	_ =	swait.ge [sflag:s3], $0x708  }
0x16: {  	[sflag:s3] =	ssyncset.done $0x0  }
0x17: {  	[sflag:s3] =	ssyncadd.s32 $0xFFFFF8F8  }
0x18: {  	[tilespmem:s6], [sflag:$0x1] =	stream.indirect.gather [hbm4b:s5+s6], $0x8, s2, s6, $0xb8;
	[tilespmem:$0x3F48] =	vst v63  }
0x19: {  	_ =	swait.ge [sflag:s7], $0x3840  }
0x1a: {  	[sflag:s7] =	ssyncset.done $0x0  }
0x1b: {  	s10 =	sadd.s32 s24, s10;
	[sflag:s7] =	ssyncadd.s32 $0xFFFFC7C0  }
0x1c: {  	[hbm4b:s10+s2] =	stream.linear.scatter [tilespmem:s6], [sflag:$0x2], $0x3840, $0x38;
	[tilespmem:$0x3F48] =	vst v63  }
0x1d: {  	s12 =	sadd.s32 $0xE10, s23;
	_ =	swait.ge [sflag:s3], $0x3840  }
0x1e: {  	s11 =	sshrl.u32 s12, $0x3;
	[sflag:s3] =	ssyncset.done $0x0  }
0x1f: {  	s11 =	sadd.s32 s21, s11;
	[sflag:s3] =	ssyncadd.s32 $0xFFFFC7C0  }
0x20: {  	[tilespmem:s2], [sflag:$0x2] =	stream.linear.gather [hbm4b:s11+s2], $0x708, $0x38;
	[tilespmem:$0x3F48] =	vst v63  }
0x21: {  	_ =	swait.ge [sflag:s3], $0x708  }
0x22: {  	[sflag:s3] =	ssyncset.done $0x0  }
0x23: {  	[sflag:s3] =	ssyncadd.s32 $0xFFFFF8F8  }
0x24: {  	[tilespmem:s6], [sflag:$0x1] =	stream.indirect.gather [hbm4b:s5+s6], $0x8, s2, s6, $0xb8;
	[tilespmem:$0x3F48] =	vst v63  }
0x25: {  	_ =	swait.ge [sflag:s7], $0x3840  }
0x26: {  	[sflag:s7] =	ssyncset.done $0x0  }
0x27: {  	s12 =	sadd.s32 s24, s12;
	[sflag:s7] =	ssyncadd.s32 $0xFFFFC7C0  }
0x28: {  	[hbm4b:s12+s2] =	stream.linear.scatter [tilespmem:s6], [sflag:$0x2], $0x3840, $0x38;
	[tilespmem:$0x3F48] =	vst v63  }
0x29: {  	s14 =	sadd.s32 $0x1518, s23;
	_ =	swait.ge [sflag:s3], $0x3840  }
0x2a: {  	s13 =	sshrl.u32 s14, $0x3;
	[sflag:s3] =	ssyncset.done $0x0  }
0x2b: {  	s13 =	sadd.s32 s21, s13;
	[sflag:s3] =	ssyncadd.s32 $0xFFFFC7C0  }
0x2c: {  	[tilespmem:s2], [sflag:$0x2] =	stream.linear.gather [hbm4b:s13+s2], $0x708, $0x38;
	[tilespmem:$0x3F48] =	vst v63  }
0x2d: {  	_ =	swait.ge [sflag:s3], $0x708  }
0x2e: {  	[sflag:s3] =	ssyncset.done $0x0  }
0x2f: {  	[sflag:s3] =	ssyncadd.s32 $0xFFFFF8F8  }
0x30: {  	[tilespmem:s6], [sflag:$0x1] =	stream.indirect.gather [hbm4b:s5+s6], $0x8, s2, s6, $0xb8;
	[tilespmem:$0x3F48] =	vst v63  }
0x31: {  	_ =	swait.ge [sflag:s7], $0x3840  }
0x32: {  	[sflag:s7] =	ssyncset.done $0x0  }
0x33: {  	s14 =	sadd.s32 s24, s14;
	[sflag:s7] =	ssyncadd.s32 $0xFFFFC7C0  }
0x34: {  	[hbm4b:s14+s2] =	stream.linear.scatter [tilespmem:s6], [sflag:$0x2], $0x3840, $0x38;
	[tilespmem:$0x3F48] =	vst v63  }
0x35: {  	s16 =	sadd.s32 $0x1C20, s23;
	_ =	swait.ge [sflag:s3], $0x3840  }
0x36: {  	s15 =	sshrl.u32 s16, $0x3;
	[sflag:s3] =	ssyncset.done $0x0  }
0x37: {  	s15 =	sadd.s32 s21, s15;
	[sflag:s3] =	ssyncadd.s32 $0xFFFFC7C0  }
0x38: {  	[tilespmem:s2], [sflag:$0x2] =	stream.linear.gather [hbm4b:s15+s2], $0x708, $0x38;
	[tilespmem:$0x3F48] =	vst v63  }
0x39: {  	_ =	swait.ge [sflag:s3], $0x708  }
0x3a: {  	[sflag:s3] =	ssyncset.done $0x0  }
0x3b: {  	[sflag:s3] =	ssyncadd.s32 $0xFFFFF8F8  }
0x3c: {  	[tilespmem:s6], [sflag:$0x1] =	stream.indirect.gather [hbm4b:s5+s6], $0x8, s2, s6, $0xb8;
	[tilespmem:$0x3F48] =	vst v63  }
0x3d: {  	_ =	swait.ge [sflag:s7], $0x3840  }
0x3e: {  	[sflag:s7] =	ssyncset.done $0x0  }
0x3f: {  	s16 =	sadd.s32 s24, s16;
	[sflag:s7] =	ssyncadd.s32 $0xFFFFC7C0  }
0x40: {  	[hbm4b:s16+s2] =	stream.linear.scatter [tilespmem:s6], [sflag:$0x2], $0x3840, $0x38;
	[tilespmem:$0x3F48] =	vst v63  }
0x41: {  	s18 =	sadd.s32 $0x2328, s23;
	_ =	swait.ge [sflag:s3], $0x3840  }
0x42: {  	s17 =	sshrl.u32 s18, $0x3;
	[sflag:s3] =	ssyncset.done $0x0  }
0x43: {  	s17 =	sadd.s32 s21, s17;
	[sflag:s3] =	ssyncadd.s32 $0xFFFFC7C0  }
0x44: {  	[tilespmem:s2], [sflag:$0x2] =	stream.linear.gather [hbm4b:s17+s2], $0x708, $0x38;
	[tilespmem:$0x3F48] =	vst v63  }
0x45: {  	_ =	swait.ge [sflag:s3], $0x708  }
0x46: {  	[sflag:s3] =	ssyncset.done $0x0  }
0x47: {  	[sflag:s3] =	ssyncadd.s32 $0xFFFFF8F8  }
0x48: {  	[tilespmem:s6], [sflag:$0x1] =	stream.indirect.gather [hbm4b:s5+s6], $0x8, s2, s6, $0xb8;
	[tilespmem:$0x3F48] =	vst v63  }
0x49: {  	_ =	swait.ge [sflag:s7], $0x3840  }
0x4a: {  	[sflag:s7] =	ssyncset.done $0x0  }
0x4b: {  	s18 =	sadd.s32 s24, s18;
	[sflag:s7] =	ssyncadd.s32 $0xFFFFC7C0  }
0x4c: {  	[hbm4b:s18+s2] =	stream.linear.scatter [tilespmem:s6], [sflag:$0x2], $0x3840, $0x38;
	[tilespmem:$0x3F48] =	vst v63  }
0x4d: {  	s20 =	sadd.s32 $0x2A30, s23;
	_ =	swait.ge [sflag:s3], $0x3840  }
0x4e: {  	s19 =	sshrl.u32 s20, $0x3;
	[sflag:s3] =	ssyncset.done $0x0  }
0x4f: {  	s19 =	sadd.s32 s21, s19;
	[sflag:s3] =	ssyncadd.s32 $0xFFFFC7C0  }
0x50: {  	[tilespmem:s2], [sflag:$0x2] =	stream.linear.gather [hbm4b:s19+s2], $0x708, $0x38;
	[tilespmem:$0x3F48] =	vst v63  }
0x51: {  	_ =	swait.ge [sflag:s3], $0x708  }
0x52: {  	[sflag:s3] =	ssyncset.done $0x0  }
0x53: {  	[sflag:s3] =	ssyncadd.s32 $0xFFFFF8F8  }
0x54: {  	[tilespmem:s6], [sflag:$0x1] =	stream.indirect.gather [hbm4b:s5+s6], $0x8, s2, s6, $0xb8;
	[tilespmem:$0x3F48] =	vst v63  }
0x55: {  	_ =	swait.ge [sflag:s7], $0x3840  }
0x56: {  	[sflag:s7] =	ssyncset.done $0x0  }
0x57: {  	s20 =	sadd.s32 s24, s20;
	[sflag:s7] =	ssyncadd.s32 $0xFFFFC7C0  }
0x58: {  	[hbm4b:s20+s2] =	stream.linear.scatter [tilespmem:s6], [sflag:$0x2], $0x3840, $0x38;
	[tilespmem:$0x3F48] =	vst v63  }
0x59: {  	s23 =	sadd.s32 $0x3138, s23;
	_ =	swait.ge [sflag:s3], $0x3840  }
0x5a: {  	s25 =	sshrl.u32 s23, $0x3;
	[sflag:s3] =	ssyncset.done $0x0  }
0x5b: {  	s22 =	ssub.s32 $0x2, s22;
	s21 =	sadd.s32 s21, s25;
	[sflag:s3] =	ssyncadd.s32 $0xFFFFC7C0  }
0x5c: {  	[tilespmem:s2], [sflag:$0x2] =	stream.linear.gather [hbm4b:s21+s2], $0x708, $0x38;
	[tilespmem:$0x3F48] =	vst v63  }
0x5d: {  	s30 =	sshrl.u32 s22, $0x1;
	_ =	swait.ge [sflag:s3], $0x708  }
0x5e: {  	s25 =	ssub.s32 s22, s30;
	[sflag:s3] =	ssyncset.done $0x0  }
0x5f: {  	s31 =	smax.u32 s25, $0x1;
	[sflag:s3] =	ssyncadd.s32 $0xFFFFF8F8  }
0x60: {  	[tilespmem:s6], [sflag:$0x1] =	stream.indirect.gather [hbm4b:s5+s6], $0x8, s2, s6, $0xb8;
	[tilespmem:$0x3F48] =	vst v63  }
0x61: {  	p0 =	sne.s32 s31, $0x1;
	_ =	swait.ge [sflag:s7], $0x3840  }
.Ltmp0:
0x62: {  	[sflag:s7] =	ssyncset.done $0x0;
	(pc) =	sbr.rel @!p0 .LBB2_2-.Ltmp0, $4  }
0x63: {  	s22 =	sadd.s32 s24, s23;
	[sflag:s7] =	ssyncadd.s32 $0xFFFFC7C0  }
0x64: {  	[hbm4b:s22+s2] =	stream.linear.scatter [tilespmem:s6], [sflag:$0x2], $0x3840, $0x38;
	[tilespmem:$0x3F48] =	vst v63  }
0x65: {  	_ =	swait.ge [sflag:s3], $0x3840  }
0x66: {  	s23 =	sadd.s32 $0xFFFFFFFF, s31;
	[sflag:s3] =	ssyncset.done $0x0  }
.LBB2_1:
0x67: {  	p0 =	sne.s32 s23, $0x1;
	s23 =	sadd.s32 $0xFFFFFFFF, s23;
	[sflag:s3] =	ssyncadd.s32 $0xFFFFC7C0  }
0x68: {  	[tilespmem:s2], [sflag:$0x2] =	stream.linear.gather [hbm4b:s4+s2], $0x708, $0x38;
	[tilespmem:$0x3F48] =	vst v63  }
0x69: {  	_ =	swait.ge [sflag:s3], $0x708  }
0x6a: {  	[sflag:s3] =	ssyncset.done $0x0  }
0x6b: {  	[sflag:s3] =	ssyncadd.s32 $0xFFFFF8F8  }
0x6c: {  	[tilespmem:s6], [sflag:$0x1] =	stream.indirect.gather [hbm4b:s5+s6], $0x8, s2, s6, $0xb8;
	[tilespmem:$0x3F48] =	vst v63  }
0x6d: {  	_ =	swait.ge [sflag:s7], $0x3840  }
0x6e: {  	[sflag:s7] =	ssyncset.done $0x0  }
0x6f: {  	[sflag:s7] =	ssyncadd.s32 $0xFFFFC7C0  }
0x70: {  	[hbm4b:s8+s2] =	stream.linear.scatter [tilespmem:s6], [sflag:$0x2], $0x3840, $0x38;
	[tilespmem:$0x3F48] =	vst v63  }
0x71: {  	_ =	swait.ge [sflag:s3], $0x3840  }
0x72: {  	[sflag:s3] =	ssyncset.done $0x0  }
0x73: {  	[sflag:s3] =	ssyncadd.s32 $0xFFFFC7C0  }
0x74: {  	[tilespmem:s2], [sflag:$0x2] =	stream.linear.gather [hbm4b:s9+s2], $0x708, $0x38;
	[tilespmem:$0x3F48] =	vst v63  }
0x75: {  	_ =	swait.ge [sflag:s3], $0x708  }
0x76: {  	[sflag:s3] =	ssyncset.done $0x0  }
0x77: {  	[sflag:s3] =	ssyncadd.s32 $0xFFFFF8F8  }
0x78: {  	[tilespmem:s6], [sflag:$0x1] =	stream.indirect.gather [hbm4b:s5+s6], $0x8, s2, s6, $0xb8;
	[tilespmem:$0x3F48] =	vst v63  }
0x79: {  	_ =	swait.ge [sflag:s7], $0x3840  }
0x7a: {  	[sflag:s7] =	ssyncset.done $0x0  }
0x7b: {  	[sflag:s7] =	ssyncadd.s32 $0xFFFFC7C0  }
0x7c: {  	[hbm4b:s10+s2] =	stream.linear.scatter [tilespmem:s6], [sflag:$0x2], $0x3840, $0x38;
	[tilespmem:$0x3F48] =	vst v63  }
0x7d: {  	_ =	swait.ge [sflag:s3], $0x3840  }
0x7e: {  	[sflag:s3] =	ssyncset.done $0x0  }
0x7f: {  	[sflag:s3] =	ssyncadd.s32 $0xFFFFC7C0  }
0x80: {  	[tilespmem:s2], [sflag:$0x2] =	stream.linear.gather [hbm4b:s11+s2], $0x708, $0x38;
	[tilespmem:$0x3F48] =	vst v63  }
0x81: {  	_ =	swait.ge [sflag:s3], $0x708  }
0x82: {  	[sflag:s3] =	ssyncset.done $0x0  }
0x83: {  	[sflag:s3] =	ssyncadd.s32 $0xFFFFF8F8  }
0x84: {  	[tilespmem:s6], [sflag:$0x1] =	stream.indirect.gather [hbm4b:s5+s6], $0x8, s2, s6, $0xb8;
	[tilespmem:$0x3F48] =	vst v63  }
0x85: {  	_ =	swait.ge [sflag:s7], $0x3840  }
0x86: {  	[sflag:s7] =	ssyncset.done $0x0  }
0x87: {  	[sflag:s7] =	ssyncadd.s32 $0xFFFFC7C0  }
0x88: {  	[hbm4b:s12+s2] =	stream.linear.scatter [tilespmem:s6], [sflag:$0x2], $0x3840, $0x38;
	[tilespmem:$0x3F48] =	vst v63  }
0x89: {  	_ =	swait.ge [sflag:s3], $0x3840  }
0x8a: {  	[sflag:s3] =	ssyncset.done $0x0  }
0x8b: {  	[sflag:s3] =	ssyncadd.s32 $0xFFFFC7C0  }
0x8c: {  	[tilespmem:s2], [sflag:$0x2] =	stream.linear.gather [hbm4b:s13+s2], $0x708, $0x38;
	[tilespmem:$0x3F48] =	vst v63  }
0x8d: {  	_ =	swait.ge [sflag:s3], $0x708  }
0x8e: {  	[sflag:s3] =	ssyncset.done $0x0  }
0x8f: {  	[sflag:s3] =	ssyncadd.s32 $0xFFFFF8F8  }
0x90: {  	[tilespmem:s6], [sflag:$0x1] =	stream.indirect.gather [hbm4b:s5+s6], $0x8, s2, s6, $0xb8;
	[tilespmem:$0x3F48] =	vst v63  }
0x91: {  	_ =	swait.ge [sflag:s7], $0x3840  }
0x92: {  	[sflag:s7] =	ssyncset.done $0x0  }
0x93: {  	[sflag:s7] =	ssyncadd.s32 $0xFFFFC7C0  }
0x94: {  	[hbm4b:s14+s2] =	stream.linear.scatter [tilespmem:s6], [sflag:$0x2], $0x3840, $0x38;
	[tilespmem:$0x3F48] =	vst v63  }
0x95: {  	_ =	swait.ge [sflag:s3], $0x3840  }
0x96: {  	[sflag:s3] =	ssyncset.done $0x0  }
0x97: {  	[sflag:s3] =	ssyncadd.s32 $0xFFFFC7C0  }
0x98: {  	[tilespmem:s2], [sflag:$0x2] =	stream.linear.gather [hbm4b:s15+s2], $0x708, $0x38;
	[tilespmem:$0x3F48] =	vst v63  }
0x99: {  	_ =	swait.ge [sflag:s3], $0x708  }
0x9a: {  	[sflag:s3] =	ssyncset.done $0x0  }
0x9b: {  	[sflag:s3] =	ssyncadd.s32 $0xFFFFF8F8  }
0x9c: {  	[tilespmem:s6], [sflag:$0x1] =	stream.indirect.gather [hbm4b:s5+s6], $0x8, s2, s6, $0xb8;
	[tilespmem:$0x3F48] =	vst v63  }
0x9d: {  	_ =	swait.ge [sflag:s7], $0x3840  }
0x9e: {  	[sflag:s7] =	ssyncset.done $0x0  }
0x9f: {  	[sflag:s7] =	ssyncadd.s32 $0xFFFFC7C0  }
0xa0: {  	[hbm4b:s16+s2] =	stream.linear.scatter [tilespmem:s6], [sflag:$0x2], $0x3840, $0x38;
	[tilespmem:$0x3F48] =	vst v63  }
0xa1: {  	_ =	swait.ge [sflag:s3], $0x3840  }
0xa2: {  	[sflag:s3] =	ssyncset.done $0x0  }
0xa3: {  	[sflag:s3] =	ssyncadd.s32 $0xFFFFC7C0  }
0xa4: {  	[tilespmem:s2], [sflag:$0x2] =	stream.linear.gather [hbm4b:s17+s2], $0x708, $0x38;
	[tilespmem:$0x3F48] =	vst v63  }
0xa5: {  	_ =	swait.ge [sflag:s3], $0x708  }
0xa6: {  	[sflag:s3] =	ssyncset.done $0x0  }
0xa7: {  	[sflag:s3] =	ssyncadd.s32 $0xFFFFF8F8  }
0xa8: {  	[tilespmem:s6], [sflag:$0x1] =	stream.indirect.gather [hbm4b:s5+s6], $0x8, s2, s6, $0xb8;
	[tilespmem:$0x3F48] =	vst v63  }
0xa9: {  	_ =	swait.ge [sflag:s7], $0x3840  }
0xaa: {  	[sflag:s7] =	ssyncset.done $0x0  }
0xab: {  	[sflag:s7] =	ssyncadd.s32 $0xFFFFC7C0  }
0xac: {  	[hbm4b:s18+s2] =	stream.linear.scatter [tilespmem:s6], [sflag:$0x2], $0x3840, $0x38;
	[tilespmem:$0x3F48] =	vst v63  }
0xad: {  	_ =	swait.ge [sflag:s3], $0x3840  }
0xae: {  	[sflag:s3] =	ssyncset.done $0x0  }
0xaf: {  	[sflag:s3] =	ssyncadd.s32 $0xFFFFC7C0  }
0xb0: {  	[tilespmem:s2], [sflag:$0x2] =	stream.linear.gather [hbm4b:s19+s2], $0x708, $0x38;
	[tilespmem:$0x3F48] =	vst v63  }
0xb1: {  	_ =	swait.ge [sflag:s3], $0x708  }
0xb2: {  	[sflag:s3] =	ssyncset.done $0x0  }
0xb3: {  	[sflag:s3] =	ssyncadd.s32 $0xFFFFF8F8  }
0xb4: {  	[tilespmem:s6], [sflag:$0x1] =	stream.indirect.gather [hbm4b:s5+s6], $0x8, s2, s6, $0xb8;
	[tilespmem:$0x3F48] =	vst v63  }
0xb5: {  	_ =	swait.ge [sflag:s7], $0x3840  }
0xb6: {  	[sflag:s7] =	ssyncset.done $0x0  }
0xb7: {  	[sflag:s7] =	ssyncadd.s32 $0xFFFFC7C0  }
0xb8: {  	[hbm4b:s20+s2] =	stream.linear.scatter [tilespmem:s6], [sflag:$0x2], $0x3840, $0x38;
	[tilespmem:$0x3F48] =	vst v63  }
0xb9: {  	_ =	swait.ge [sflag:s3], $0x3840  }
0xba: {  	[sflag:s3] =	ssyncset.done $0x0  }
0xbb: {  	[sflag:s3] =	ssyncadd.s32 $0xFFFFC7C0  }
0xbc: {  	[tilespmem:s2], [sflag:$0x2] =	stream.linear.gather [hbm4b:s21+s2], $0x708, $0x38;
	[tilespmem:$0x3F48] =	vst v63  }
0xbd: {  	_ =	swait.ge [sflag:s3], $0x708  }
0xbe: {  	[sflag:s3] =	ssyncset.done $0x0  }
0xbf: {  	[sflag:s3] =	ssyncadd.s32 $0xFFFFF8F8  }
0xc0: {  	[tilespmem:s6], [sflag:$0x1] =	stream.indirect.gather [hbm4b:s5+s6], $0x8, s2, s6, $0xb8;
	[tilespmem:$0x3F48] =	vst v63  }
0xc1: {  	_ =	swait.ge [sflag:s7], $0x3840  }
.Ltmp1:
0xc2: {  	[sflag:s7] =	ssyncset.done $0x0;
	(pc) =	sbr.rel @p0 .LBB2_1-.Ltmp1, $4  }
0xc3: {  	[sflag:s7] =	ssyncadd.s32 $0xFFFFC7C0  }
0xc4: {  	[hbm4b:s22+s2] =	stream.linear.scatter [tilespmem:s6], [sflag:$0x2], $0x3840, $0x38;
	[tilespmem:$0x3F48] =	vst v63  }
0xc5: {  	_ =	swait.ge [sflag:s3], $0x3840  }
0xc6: {  	[sflag:s3] =	ssyncset.done $0x0  }
.LBB2_2:
0xc7: {  	[sflag:s3] =	ssyncadd.s32 $0xFFFFC7C0  }
0xc8: {  	_ =	sfence.sel $0x180000  }
0xc9: {  	[bflag:$0x0] =	sbarrier.arrive $0xFFFF  }
0xca: {  	p0 =	sne.s32 s0, $0x0;
	_ =	strace $0x9000004A  }
0xcb: {  	s0 =	sadd.s32 @!p0 $0x100000, s1;
	[bflag:$0x2] =	sbarrier.arrive $0xFFFF  }
0xcc: {  	[sflag:s0] =	ssyncadd.tile.s32 @!p0 $0x1;
	_ =	shalt  }
.Lfunc_end2:
_tile_overlayer_lowered:
.L_overlay_start_2:
0xcd: {  	(tag) =	ssettag $0x2  }
0xce: {  	s0 =	rddreg [dreg:$0x0];
	s2 =	stileid.u32  }
0xcf: {  	s1 =	rddreg [dreg:$0x1];
	p0 =	sne.s32 s2, $0x0  }
0xd0: {  	s3 =	rddreg [dreg:$0x2];
	[bflag:$0x3] =	sbarrier.arrive $0xFFFF;
	s2 =	simm.s32 @!p0 $0x1C02  }
0xd1: {  	[timem:s3], [sflag:s2] =	dma.local @!p0 [hbm:s0], s1  }
0xd2: {  	s0 =	simm.s32 @!p0 $0x2  }
0xd3: {  	_ =	swait.ge @!p0 [sflag:s0], s1  }
0xd4: {  	s1 =	ssub.s32 @!p0 $0x0, s1;
	[sflag:s0] =	ssyncset.done @!p0 $0x0  }
0xd5: {  	[sflag:s0] =	ssyncadd.s32 @!p0 s1  }
0xd6: {  	[bflag:$0x3] =	sbarrier.arrive $0xFFFF  }
0xd7: {  	_ =	shalt  }

// kernel: kernel.8.cloned.1.call-start
scs
__scs_entry_jumppad:
0x0: {  	(pc) =	sbr.rel $0x88, $3  }
0x1: {  	(tag) =	ssettag $0x0;
	lr =	simm.s32 $0x1  }
0x2: {  	[smem:$0x3F92] =	sst lr;
	_ =	strace $0xD0000000  }
0x3: {  	_ = 	snop  }
0x4: {  	_ = 	snop  }
0x5: {  	_ = 	snop  }
0x6: {  	_ = 	snop  }
0x7: {  	_ = 	snop  }
__scs_overlays_trampoline_lowered:
0x8: {  	[smem:$0x3FA1] =	sst s0  }
0x9: {  	[smem:$0x3FA2] =	sst s1  }
0xa: {  	[smem:$0x3FA3] =	sst s2  }
0xb: {  	[smem:$0x3FA4] =	sst s3  }
0xc: {  	[smem:$0x3FA5] =	sst s4  }
0xd: {  	[smem:$0x3FA6] =	sst s5  }
0xe: {  	[smem:$0x3FA7] =	sst s6  }
0xf: {  	[smem:$0x3FA8] =	sst s7  }
0x10: {  	[smem:$0x3FA9] =	sst s8  }
0x11: {  	[smem:$0x3FAA] =	sst s9;
	s0 =	simm.s32 @!p0 $0x0  }
0x12: {  	s1 =	sld [smem:$0x3F90];
	s0 =	simm.s32 @p0 $0x1  }
0x13: {  	[smem:$0x3FAB] =	sst s0;
	s0 =	simm.s32 @!p1 $0x0  }
0x14: {  	s2 =	sld [smem:$0x3F8F];
	s0 =	simm.s32 @p1 $0x1  }
0x15: {  	[smem:$0x3FAC] =	sst s0;
	s0 =	simm.s32 @!p2 $0x0  }
0x16: {  	s3 =	sld [smem:$0x3FDB];
	s0 =	simm.s32 @p2 $0x1  }
0x17: {  	s4 =	simm.s32 $0x1BF5;
	[smem:$0x3FAE] =	sst s0  }
0x18: {  	s0 =	sld [smem:$0x3F91];
	_ =	swait.ge [sflag:s4], $0x0  }
0x19: {  	s7 =	sld [smem:$0x3F92]  }
0x1a: {  	s8 =	sadd.s32 $0xFFFFE003, lr  }
0x1b: {  	s9 =	sadd.s32 $0xFFFFFEF7, lr;
	s5 =	simm.s32 $0xFFFFFFFF;
	p2 =	slt.u32 s8, $0xFFFFF086  }
0x1c: {  	p1 =	slt.u32 s9, $0xF7A;
	s5 =	simm.s32 @!p2 $0x0  }
0x1d: {  	s5 =	simm.s32 @p1 $0x1;
	p0 =	seq.s32 s7, s2  }
0x1e: {  	s7 =	smul.u32 @!p0 $0xF7A, s2;
	p2 =	seq.s32 @!p0 s5, $0x0  }
0x1f: {  	s9 =	smul.u32 $0xF7A, s1;
	s8 =	simm.s32 @!p0 $0x1BF5;
	p2 =	por !p2, p0  }
0x20: {  	[sflag:s8] =	ssyncset.s32 @!p0 $0xFFFFF086;
	s6 =	sadd.s32 @!p0 s3, s7;
	s7 =	simm.s32 @!p0 $0x108  }
0x21: {  	s3 =	sadd.s32 s3, s9;
	s6 =	sadd.s32 @!p0 $0x88, s6;
	s7 =	simm.s32 @p2 $0x1082  }
0x22: {  	[simem:s7], [sflag:s8] =	dma.local @!p0 [hbm:s6], $0xF7A  }
0x23: {  	s9 =	sor.u32 $0xD0000000, s2;
	s6 =	simm.s32 $0x108;
	_ =	swait.ge @!p0 [sflag:s8], $0x0  }
0x24: {  	s3 =	sadd.s32 $0x88, s3;
	s6 =	simm.s32 @!p1 $0x1082;
	[sflag:s4] =	ssyncset.s32 $0xFFFFF086  }
0x25: {  	[simem:s6], [sflag:s4] =	dma.local [hbm:s3], $0xF7A  }
0x26: {  	[smem:$0x3F92] =	sst s1;
	(tag) =	ssettag s2;
	_ =	strace s9  }
0x27: {  	s1 =	sld [smem:$0x3FA2]  }
0x28: {  	s2 =	sld [smem:$0x3FA3]  }
0x29: {  	s4 =	sld [smem:$0x3FA5]  }
0x2a: {  	p0 =	seq.s32 s5, $0x0;
	s5 =	sld [smem:$0x3FA6]  }
0x2b: {  	s6 =	sld [smem:$0x3FA7]  }
0x2c: {  	s7 =	sld [smem:$0x3FA8]  }
0x2d: {  	s3 =	simm.s32 $0x108;
	s8 =	sld [smem:$0x3FA9]  }
0x2e: {  	s3 =	simm.s32 @!p0 $0x1082;
	s9 =	sld [smem:$0x3FAA]  }
0x2f: {  	lr =	sadd.s32 s0, s3;
	s0 =	sld [smem:$0x3FA1]  }
0x30: {  	s3 =	sld [smem:$0x3FA4]  }
0x31: {  	[smem:$0x3FAD] =	sst s10  }
0x32: {  	s10 =	sld [smem:$0x3FAB];
	_ =	sdelay $0x3  }
0x33: {  	p0 =	seq.s32 s10, $0x1;
	s10 =	sld [smem:$0x3FAD];
	_ =	sdelay $0x3  }
0x34: {  	[smem:$0x3FAD] =	sst s10  }
0x35: {  	s10 =	sld [smem:$0x3FAC];
	_ =	sdelay $0x3  }
0x36: {  	p1 =	seq.s32 s10, $0x1;
	s10 =	sld [smem:$0x3FAD];
	_ =	sdelay $0x3  }
0x37: {  	[smem:$0x3FAD] =	sst s10  }
0x38: {  	s10 =	sld [smem:$0x3FAE]  }
0x39: {  	_ = 	snop;
	(pc) =	sbr.ind lr, $3  }
0x3a: {  	_ = 	snop  }
0x3b: {  	_ = 	snop  }
0x3c: {  	p2 =	seq.s32 s10, $0x1;
	s10 =	sld [smem:$0x3FAD]  }
0x3d: {  	_ =	shalt  }
0x3e: {  	_ =	shalt  }
0x3f: {  	_ =	shalt  }
0x40: {  	_ =	shalt  }
0x41: {  	_ =	shalt  }
0x42: {  	_ =	shalt  }
0x43: {  	_ =	shalt  }
0x44: {  	_ =	shalt  }
0x45: {  	_ =	shalt  }
0x46: {  	_ =	shalt  }
0x47: {  	_ =	shalt  }
0x48: {  	_ =	shalt  }
0x49: {  	_ =	shalt  }
0x4a: {  	_ =	shalt  }
0x4b: {  	_ =	shalt  }
0x4c: {  	_ =	shalt  }
0x4d: {  	_ =	shalt  }
0x4e: {  	_ =	shalt  }
0x4f: {  	_ =	shalt  }
0x50: {  	_ =	shalt  }
0x51: {  	_ =	shalt  }
0x52: {  	_ =	shalt  }
0x53: {  	_ =	shalt  }
0x54: {  	_ =	shalt  }
0x55: {  	_ =	shalt  }
0x56: {  	_ =	shalt  }
0x57: {  	_ =	shalt  }
0x58: {  	_ =	shalt  }
0x59: {  	_ =	shalt  }
0x5a: {  	_ =	shalt  }
0x5b: {  	_ =	shalt  }
0x5c: {  	_ =	shalt  }
0x5d: {  	_ =	shalt  }
0x5e: {  	_ =	shalt  }
0x5f: {  	_ =	shalt  }
0x60: {  	_ =	shalt  }
0x61: {  	_ =	shalt  }
0x62: {  	_ =	shalt  }
0x63: {  	_ =	shalt  }
0x64: {  	_ =	shalt  }
0x65: {  	_ =	shalt  }
0x66: {  	_ =	shalt  }
0x67: {  	_ =	shalt  }
0x68: {  	_ =	shalt  }
0x69: {  	_ =	shalt  }
0x6a: {  	_ =	shalt  }
0x6b: {  	_ =	shalt  }
0x6c: {  	_ =	shalt  }
0x6d: {  	_ =	shalt  }
0x6e: {  	_ =	shalt  }
0x6f: {  	_ =	shalt  }
0x70: {  	_ =	shalt  }
0x71: {  	_ =	shalt  }
0x72: {  	_ =	shalt  }
0x73: {  	_ =	shalt  }
0x74: {  	_ =	shalt  }
0x75: {  	_ =	shalt  }
0x76: {  	_ =	shalt  }
0x77: {  	_ =	shalt  }
0x78: {  	_ =	shalt  }
0x79: {  	_ =	shalt  }
0x7a: {  	_ =	shalt  }
0x7b: {  	_ =	shalt  }
0x7c: {  	_ =	shalt  }
0x7d: {  	_ =	shalt  }
0x7e: {  	_ =	shalt  }
0x7f: {  	_ =	shalt  }
0x80: {  	_ =	shalt  }
0x81: {  	_ =	shalt  }
0x82: {  	_ =	shalt  }
0x83: {  	_ =	shalt  }
0x84: {  	_ =	shalt  }
0x85: {  	_ =	shalt  }
0x86: {  	_ =	shalt  }
0x87: {  	_ =	shalt  }
.Lfunc_end0:
.L_simem_size_0:
called_computation_lowered:
.L_overlay_start_0:
0x88: {  	s2 =	sld [smem:$0x3FD9]  }
0x89: {  	s3 =	sld [smem:$0x3FFE];
	_ =	sdelay $0x1  }
0x8a: {  	s1 =	srdreg.scid  }
0x8b: {  	s0 =	sand.u32 $0x1, s1  }
0x8c: {  	s17 =	sshll.u32 s0, $0xA;
	s2 =	sadd.s32 s3, s2  }
0x8d: {  	s2 =	sadd.s32 s2, s17  }
0x8e: {  	[smem:$0x3FB9] =	sst s2  }
0x8f: {  	_ = 	snop  }
0x90: {  	s2 =	sld [smem:$0x3FD0];
	(tm) =	ssettm $0x1  }
0x91: {  	s18 =	sld [smem:$0x3FFB];
	_ =	sdelay $0x3  }
0x92: {  	_ =	strace s18  }
0x93: {  	s3 =	sld [smem:$0x3FFC];
	_ =	sdelay $0x3  }
0x94: {  	_ =	strace s3  }
0x95: {  	s3 =	sld [smem:$0x3FFD];
	_ =	sdelay $0x3  }
0x96: {  	_ =	strace s3  }
0x97: {  	_ =	strace $0x8FFFFFFF  }
0x98: {  	s19 =	sld [smem:$0x3FDB];
	_ =	sdelay $0x1  }
0x99: {  	s4 =	simm.s32 $_scs_section_size  }
0x9a: {  	s5 =	simm.s32 $_size__tile_overlayer_lowered;
	s6 =	simm.s32 $_tile_overlayer_lowered  }
0x9b: {  	s22 =	simm.s32 $0x1BFF;
	s21 =	sshll.u32 s6, $0x1;
	s3 =	sadd.s32 s4, s19  }
0x9c: {  	s7 =	simm.s32 $0x0;
	s20 =	sshll.u32 s5, $0x1;
	s5 =	sadd.s32 s21, s3  }
0x9d: {  	[timem:s7], [sflag:s22] =	dma.local [hbm:s5], s20  }
0x9e: {  	_ =	swait.ge [sflag:s22], s20  }
0x9f: {  	s4 =	ssub.s32 $0x0, s20;
	[sflag:s22] =	ssyncset.done $0x0  }
0xa0: {  	[sflag:s22] =	ssyncadd.s32 s4;
	_ =	sdelay $0x1  }
0xa1: {  	s23 =	simm.s32 $0x1B8B  }
0xa2: {  	_ =	swait.ge [sflag:s23], $0x1  }
0xa3: {  	[sflag:s23] =	ssyncset.done $0x0  }
0xa4: {  	s25 =	simm.s32 $0x1B8E;
	s24 =	sld [smem:$0x3FFE];
	[sflag:s23] =	ssyncadd.s32 $0xFFFFFFFF  }
0xa5: {  	s26 =	simm.s32 $execute0_lowered;
	[smem:$0x3FD2] =	sst s25  }
0xa6: {  	s5 =	sshll.u32 s26, $0x1;
	_ =	strace $0x80000046;
	[dreg:$0x1] =	wrdreg $0xFFFFFFFF  }
0xa7: {  	s28 =	simm.s32 $_size_execute0_lowered;
	s3 =	sadd.s32 s3, s5;
	[dreg:$0x0] =	wrdreg $0x0  }
0xa8: {  	s5 =	sshll.u32 s28, $0x1;
	[dreg:$0x2] =	wrdreg s3  }
0xa9: {  	[dreg:$0x3] =	wrdreg s5  }
0xaa: {  	[dreg:$0x4] =	wrdreg $0xC0  }
0xab: {  	_ =	task [dreg:s7], $0x5FFFF  }
0xac: {  	[dreg:$0x1] =	wrdreg $0xFFFFFFFF  }
0xad: {  	[dreg:$0x0] =	wrdreg $0x60  }
0xae: {  	[dreg:$0x2] =	wrdreg s24  }
0xaf: {  	[dreg:$0x3] =	wrdreg s2  }
0xb0: {  	[dreg:$0x4] =	wrdreg $0x9  }
0xb1: {  	_ =	task.clear_ibuf [dreg:s7], $0x5FFFF;
	_ =	strace $0x90000046  }
0xb2: {  	s29 =	simm.s32 $0x9;
	_ =	strace $0x80000048  }
0xb3: {  	_ =	swait.ge [sflag:s29], $0x1  }
0xb4: {  	[sflag:s29] =	ssyncadd.s32 $0xFFFFFFFF  }
0xb5: {  	_ =	strace $0x90000048  }
0xb6: {  	_ =	sfence  }
0xb7: {  	s30 =	sld [smem:$0x0];
	_ =	sdelay $0x2  }
0xb8: {  	s31 =	sshll.u32 s1, $0xD;
	s1 =	sshrl.u32 s1, $0x2  }
0xb9: {  	s3 =	sand.u32 $0x4000, s31;
	s1 =	sadd.s32 s1, s30  }
0xba: {  	s0 =	sor.u32 s3, s0;
	s1 =	sshll.u32 s1, $0x11  }
0xbb: {  	s0 =	sor.u32 s1, s0  }
0xbc: {  	s0 =	sadd.s32 $0x8F2B, s0  }
0xbd: {  	[sflag:s0] =	ssyncadd.remote.s32 $0x1  }
0xbe: {  	_ =	sfence.sel $0xFFFF  }
0xbf: {  	[dreg:$0x0] =	wrdreg $0xFFFFFFFF;
	(pc) =	sbr.abs _section_cstart, $3  }
0xc0: {  	[dreg:$0x1] =	wrdreg $0xFFFFFFFF  }
0xc1: {  	_ =	task.clear_ibuf [dreg:s7], $0x2FFFF;
	_ =	strace $0x9FFFFFFF  }
0xc2: {  	(tm) =	ssettm $0x7FFFFFFF  }
0xc3: {  	_ =	shalt  }
tec
execute0_lowered:
.L_overlay_start_1:
0x0: {  	(tag) =	ssettag $0x1  }
0x1: {  	s1 =	srdreg.scid;
	s0 =	stileid.u32  }
0x2: {  	s6 =	sand.u32 $0x1, s1;
	s30 =	sshll.u32 s0, $0x1  }
0x3: {  	s5 =	rddreg [dreg:$0x0];
	s8 =	sor.u32 s6, s30  }
0x4: {  	s9 =	rddreg [dreg:$0x1];
	s2 =	simm.s32 $0x0;
	s3 =	smul.u32 $0x5A, s8  }
0x5: {  	[smem:$0x7FF] =	sst s2  }
0x6: {  	s1 =	rddreg [dreg:$0x2];
	_ =	strace $0x80000047;
	s3 =	sadd.s32 s3, s5  }
0x7: {  	s10 =	ssub.s32 $0x2, s6;
	s4 =	sadd.s32 $0x3400, s3;
	s3 =	simm.s32 $0x2  }
0x8: {  	[tilespmem:s2], [sflag:$0x2] =	stream.linear.gather [hbm4b:s4+s2], $0x2D0, $0x38;
	[tilespmem:$0x2FD0] =	vst v63  }
0x9: {  	s7 =	simm.s32 $0x1;
	s11 =	sshrl.u32 s10, $0x1;
	_ =	swait.ge [sflag:s3], $0x2D0  }
0xa: {  	s6 =	simm.s32 $0x2D0;
	s10 =	ssub.s32 s10, s11;
	[sflag:s3] =	ssyncset.done $0x0  }
0xb: {  	s5 =	sadd.s32 $0x3000, s5;
	s31 =	smax.u32 s10, $0x1;
	[sflag:s3] =	ssyncadd.s32 $0xFFFFFD30  }
0xc: {  	[tilespmem:s6], [sflag:$0x1] =	stream.indirect.gather [hbm4b:s5+s6], $0x10, s2, s6, $0xb8;
	[tilespmem:$0x2FD0] =	vst v63  }
0xd: {  	s8 =	smul.u32 $0x5A0, s8;
	p0 =	sne.s32 s31, $0x1;
	_ =	swait.ge [sflag:s7], $0x2D00  }
.Ltmp0:
0xe: {  	[sflag:s7] =	ssyncset.done $0x0;
	(pc) =	sbr.rel @!p0 .LBB2_2-.Ltmp0, $4  }
0xf: {  	s8 =	sadd.s32 s9, s8;
	[sflag:s7] =	ssyncadd.s32 $0xFFFFD300  }
0x10: {  	[hbm4b:s8+s2] =	stream.linear.scatter [tilespmem:s6], [sflag:$0x2], $0x2D00, $0x38;
	[tilespmem:$0x2FD0] =	vst v63  }
0x11: {  	_ =	swait.ge [sflag:s3], $0x2D00  }
0x12: {  	s9 =	sadd.s32 $0xFFFFFFFF, s31;
	[sflag:s3] =	ssyncset.done $0x0  }
.LBB2_1:
0x13: {  	p0 =	sne.s32 s9, $0x1;
	s9 =	sadd.s32 $0xFFFFFFFF, s9;
	[sflag:s3] =	ssyncadd.s32 $0xFFFFD300  }
0x14: {  	[tilespmem:s2], [sflag:$0x2] =	stream.linear.gather [hbm4b:s4+s2], $0x2D0, $0x38;
	[tilespmem:$0x2FD0] =	vst v63  }
0x15: {  	_ =	swait.ge [sflag:s3], $0x2D0  }
0x16: {  	[sflag:s3] =	ssyncset.done $0x0  }
0x17: {  	[sflag:s3] =	ssyncadd.s32 $0xFFFFFD30  }
0x18: {  	[tilespmem:s6], [sflag:$0x1] =	stream.indirect.gather [hbm4b:s5+s6], $0x10, s2, s6, $0xb8;
	[tilespmem:$0x2FD0] =	vst v63  }
0x19: {  	_ =	swait.ge [sflag:s7], $0x2D00  }
.Ltmp1:
0x1a: {  	[sflag:s7] =	ssyncset.done $0x0;
	(pc) =	sbr.rel @p0 .LBB2_1-.Ltmp1, $4  }
0x1b: {  	[sflag:s7] =	ssyncadd.s32 $0xFFFFD300  }
0x1c: {  	[hbm4b:s8+s2] =	stream.linear.scatter [tilespmem:s6], [sflag:$0x2], $0x2D00, $0x38;
	[tilespmem:$0x2FD0] =	vst v63  }
0x1d: {  	_ =	swait.ge [sflag:s3], $0x2D00  }
0x1e: {  	[sflag:s3] =	ssyncset.done $0x0  }
.LBB2_2:
0x1f: {  	[sflag:s3] =	ssyncadd.s32 $0xFFFFD300  }
0x20: {  	_ =	sfence.sel $0x180000  }
0x21: {  	[bflag:$0x0] =	sbarrier.arrive $0xFFFF  }
0x22: {  	p0 =	sne.s32 s0, $0x0;
	_ =	strace $0x90000047  }
0x23: {  	s0 =	sadd.s32 @!p0 $0x100000, s1;
	[bflag:$0x2] =	sbarrier.arrive $0xFFFF  }
0x24: {  	[sflag:s0] =	ssyncadd.tile.s32 @!p0 $0x1;
	_ =	shalt  }
.Lfunc_end2:
_tile_overlayer_lowered:
.L_overlay_start_2:
0x25: {  	(tag) =	ssettag $0x2  }
0x26: {  	s0 =	rddreg [dreg:$0x0];
	s2 =	stileid.u32  }
0x27: {  	s1 =	rddreg [dreg:$0x1];
	p0 =	sne.s32 s2, $0x0  }
0x28: {  	s3 =	rddreg [dreg:$0x2];
	[bflag:$0x3] =	sbarrier.arrive $0xFFFF;
	s2 =	simm.s32 @!p0 $0x1C02  }
0x29: {  	[timem:s3], [sflag:s2] =	dma.local @!p0 [hbm:s0], s1  }
0x2a: {  	s0 =	simm.s32 @!p0 $0x2  }
0x2b: {  	_ =	swait.ge @!p0 [sflag:s0], s1  }
0x2c: {  	s1 =	ssub.s32 @!p0 $0x0, s1;
	[sflag:s0] =	ssyncset.done @!p0 $0x0  }
0x2d: {  	[sflag:s0] =	ssyncadd.s32 @!p0 s1  }
0x2e: {  	[bflag:$0x3] =	sbarrier.arrive $0xFFFF  }
0x2f: {  	_ =	shalt  }

</sc_bundles>
